<compile_context>
chip_gen: v7x
topology: tpu7x:2x2x1
jax: 0.10.2.dev20260603
libtpu: 0.0.44.dev20260713+nightly
codegen_flags: <defaults>
</compile_context>

<pallas_src>
import functools

import jax
import jax.numpy as jnp
from jax import lax
from jax.experimental import pallas as pl
from jax.experimental.pallas import tpu as pltpu
from jax.experimental.pallas import tpu_sc as plsc

_K = 128
_NT = 16
_NC = 2
_NW = _NC * _NT


def _pre_body(x_ref, o_ref):
    x = x_ref[...]
    n, d = x.shape
    spars = 1.0 - jnp.sum((x != 0).astype(jnp.float32), axis=1, keepdims=True) / d
    ent = -jnp.sum(x * jnp.log(x + 1e-15), axis=1, keepdims=True)
    spars = (spars - jnp.min(spars)) / (jnp.max(spars) - jnp.min(spars))
    ent = (ent - jnp.min(ent)) / (jnp.max(ent) - jnp.min(ent))
    pad = jnp.zeros((n, o_ref.shape[1] - 2), jnp.float32)
    o_ref[...] = jnp.concatenate([spars, ent, pad], axis=1)


def _mid_body(n, px_ref, ps_ref, w1_ref, w2_ref, o_ref):
    ax = px_ref[0, :n, :] + px_ref[1, :n, :]
    as_ = ps_ref[0, :n, :] + ps_ref[1, :n, :]
    a = jnp.concatenate([ax, as_[:, :2]], axis=1)
    h = jnp.dot(a, w1_ref[...], preferred_element_type=jnp.float32)
    h = jnp.maximum(h, 0.0)
    d = h.shape[1]
    spars = 1.0 - jnp.sum((h != 0).astype(jnp.float32), axis=1, keepdims=True) / d
    ent = -jnp.sum(h * jnp.log(h + 1e-15), axis=1, keepdims=True)
    spars = (spars - jnp.min(spars)) / (jnp.max(spars) - jnp.min(spars))
    ent = (ent - jnp.min(ent)) / (jnp.max(ent) - jnp.min(ent))
    y = jnp.dot(h, w2_ref[:d, :], preferred_element_type=jnp.float32)
    y = y + spars * w2_ref[d:d + 1, :] + ent * w2_ref[d + 1:d + 2, :]
    o_ref[...] = y


def _post_body(n, p_ref, o_ref):
    a = p_ref[0, :n, :] + p_ref[1, :n, :]
    s = a - jnp.max(a, axis=1, keepdims=True)
    o_ref[...] = s - jnp.log(jnp.sum(jnp.exp(s), axis=1, keepdims=True))


def _make_agg(np_, ds, ch_by_core, k, nbuf):
    rows_per_tile = np_ // _NT
    nt = len(ds)
    ch = max(ch_by_core)
    mesh = plsc.VectorSubcoreMesh(core_axis_name="c", subcore_axis_name="s")

    @functools.partial(
        pl.kernel,
        out_type=tuple(
            jax.ShapeDtypeStruct((_NC, np_, d), jnp.float32) for d in ds),
        mesh=mesh,
        scratch_types=[
            pltpu.VMEM((ch, k), jnp.int32),
            pltpu.VMEM((ch, k), jnp.int32),
            [[pltpu.VMEM((k, d), jnp.float32) for _ in range(nbuf)]
             for d in ds],
            [pltpu.VMEM_SHARED((np_, d), jnp.float32) for d in ds],
            [[pltpu.SemaphoreType.DMA for _ in range(nbuf)] for _ in ds],
        ],
        compiler_params=pltpu.CompilerParams(use_tc_tiling_on_sc=False),
    )
    def agg(*refs):
        tables = refs[0:nt]
        rowc, colc = refs[nt], refs[nt + 1]
        zeros = refs[nt + 2:2 * nt + 2]
        outs = refs[2 * nt + 2:3 * nt + 2]
        rowv, colv = refs[3 * nt + 2], refs[3 * nt + 3]
        bufs, shareds, gsems = refs[3 * nt + 4], refs[3 * nt + 5], refs[3 * nt + 6]
        cid = lax.axis_index("c")
        sid = lax.axis_index("s")
        ch_eff = jnp.where(cid == 0, ch_by_core[0], ch_by_core[1])
        pltpu.sync_copy(rowc.at[cid, sid], rowv)
        pltpu.sync_copy(colc.at[cid, sid], colv)
        r0 = sid * rows_per_tile
        for t in range(nt):
            pltpu.sync_copy(zeros[t].at[pl.ds(r0, rows_per_tile)],
                            shareds[t].at[pl.ds(r0, rows_per_tile)])
        plsc.subcore_barrier()

        for b in range(nbuf):
            for t in range(nt):
                pltpu.async_copy(tables[t].at[rowv.at[b]], bufs[t][b],
                                 gsems[t][b])

        def _ring(step, carry):
            i = step * nbuf
            for b in range(nbuf):
                j = i + b
                for t in range(nt):
                    pltpu.make_async_copy(tables[t].at[rowv.at[j]], bufs[t][b],
                                          gsems[t][b]).wait()
                    pltpu.sync_copy(bufs[t][b], shareds[t].at[colv.at[j]],
                                    add=True)

                    @pl.when(j + nbuf < ch_eff)
                    def _():
                        pltpu.async_copy(tables[t].at[rowv.at[j + nbuf]],
                                         bufs[t][b], gsems[t][b])
            return carry

        lax.fori_loop(0, ch_eff // nbuf, _ring, 0)
        plsc.subcore_barrier()
        for t in range(nt):
            pltpu.sync_copy(shareds[t].at[pl.ds(r0, rows_per_tile)],
                            outs[t].at[cid, pl.ds(r0, rows_per_tile)])

    return agg


def _edge_layout(row, col, n, e, ch_by_core, k):
    ch0, ch1 = ch_by_core
    ch = max(ch0, ch1)
    e_pad = _NT * k * (ch0 + ch1)
    pad = e_pad - e
    rowp = jnp.concatenate([row, jnp.zeros((pad,), jnp.int32)])
    colp = jnp.concatenate([col, jnp.full((pad,), n, jnp.int32)])

    def _part(v, start, c, fill):
        blk = v[start:start + _NT * c * k].reshape(_NT, c, k)
        return jnp.pad(blk, ((0, 0), (0, ch - c), (0, 0)),
                       constant_values=fill)

    rowc = jnp.stack([_part(rowp, 0, ch0, 0),
                      _part(rowp, _NT * ch0 * k, ch1, 0)])
    colc = jnp.stack([_part(colp, 0, ch0, n),
                      _part(colp, _NT * ch0 * k, ch1, n)])
    return rowc, colc


def kernel(x, edge_index, W1, W2):
    n, f_in = x.shape
    e = edge_index.shape[1]
    hid = W1.shape[1]
    cls = W2.shape[1]
    np_ = ((n + _NT * 8 - 1) // (_NT * 8)) * _NT * 8
    k, nbuf1, nbuf2 = 64, 2, 4
    cht = (e + _NT * k - 1) // (_NT * k)
    ch_slow = ((cht * 32 // 100) // 4) * 4
    ch_fast = ((cht - ch_slow + 3) // 4) * 4
    ch_by_core = (ch_fast, ch_slow)

    row = edge_index[0]
    col = edge_index[1]
    rowc1, colc1 = _edge_layout(row, col, n, e, ch_by_core, k)
    rowc2, colc2 = rowc1, colc1
    zeros_x = jnp.zeros((np_, f_in), jnp.float32)
    zeros_s = jnp.zeros((np_, 8), jnp.float32)
    zeros2 = jnp.zeros((np_, cls), jnp.float32)

    stats = pl.pallas_call(
        _pre_body,
        out_shape=jax.ShapeDtypeStruct((n, 8), jnp.float32),
    )(x)
    part1x, part1s = _make_agg(np_, (f_in, 8), ch_by_core, k, nbuf1)(
        x, stats, rowc1, colc1, zeros_x, zeros_s)
    y2 = pl.pallas_call(
        functools.partial(_mid_body, n),
        out_shape=jax.ShapeDtypeStruct((n, cls), jnp.float32),
        compiler_params=pltpu.CompilerParams(vmem_limit_bytes=100 * 1024 * 1024),
    )(part1x, part1s, W1, W2)

    (part2,) = _make_agg(np_, (cls,), ch_by_core, k, nbuf2)(
        y2, rowc2, colc2, zeros2)
    out = pl.pallas_call(
        functools.partial(_post_body, n),
        out_shape=jax.ShapeDtypeStruct((n, cls), jnp.float32),
    )(part2)
    return out

# --- scband reference (transcript-rebuilt; emitter-appended) ---
"""Pipeline reference for scband-gcnmodel-24756191494787 (READ-ONLY COPY).

The authoritative reference and input builder live on the scoring server;
editing this copy changes nothing except your own understanding.
"""

import jax, jax.numpy as jnp
import numpy as np

N = 10000
E = 320000
F_IN = 128
HID = 256
CLS = 64


def setup_inputs(seed: int = 0) -> dict:
    key = jax.random.key(seed)
    k1, k2, k3, k4 = jax.random.split(key, 4)
    # base fill is rand; threshold ~30% of entries to exactly zero so that the
    # per-node nonzero-count ('feature_sparsity') varies across nodes, keeping the
    # min-max normalization in the module well-defined (dense rand would give
    # min==max -> 0/0 NaN, as it would in the original torch module too).
    u = jax.random.uniform(k1, (N, F_IN), dtype=jnp.float32)
    x = jnp.where(u > 0.3, u, jnp.zeros_like(u))
    edge_index = jax.random.randint(k2, (2, E), 0, N, dtype=jnp.int32)
    # xavier_uniform init for the two conv weights (in_channels = feat + 2 appended stats)
    lim1 = float(np.sqrt(6.0 / ((F_IN + 2) + HID)))
    W1 = jax.random.uniform(k3, (F_IN + 2, HID), minval=-lim1, maxval=lim1, dtype=jnp.float32)
    lim2 = float(np.sqrt(6.0 / ((HID + 2) + CLS)))
    W2 = jax.random.uniform(k4, (HID + 2, CLS), minval=-lim2, maxval=lim2, dtype=jnp.float32)
    return {"x": x, "edge_index": edge_index, "W1": W1, "W2": W2}


def _l1_normalize(v):
    # torch F.normalize(v, p=1, dim=0): v / max(||v||_1, 1e-12)
    return v / jnp.maximum(jnp.sum(jnp.abs(v)), 1e-12)


def _compute_edge_weight(edge_index, num_nodes):
    row, col = edge_index[0], edge_index[1]
    deg = jnp.bincount(col, length=num_nodes).astype(jnp.float32)
    distance_weight = 1.0
    ew = deg[row] * deg[col] * distance_weight
    return _l1_normalize(ew)


def _custom_gcn_conv(x, edge_index, edge_weight, W):
    n, d = x.shape
    feature_sparsity = 1.0 - jnp.sum((x != 0).astype(jnp.float32), axis=1) / d
    feature_entropy = -jnp.sum(x * jnp.log(x + 1e-15), axis=1)
    feature_sparsity = (feature_sparsity - feature_sparsity.min()) / (feature_sparsity.max() - feature_sparsity.min())
    feature_entropy = (feature_entropy - feature_entropy.min()) / (feature_entropy.max() - feature_entropy.min())
    neighbor_weights = feature_sparsity / feature_entropy * 0.001
    neighbor_weights = _l1_normalize(neighbor_weights)
    expanded_neighbor_weights = neighbor_weights[edge_index[0]]
    _unused_ew = edge_weight * expanded_neighbor_weights  # computed but ignored by message() in the original
    xc = jnp.concatenate([x, feature_sparsity[:, None], feature_entropy[:, None]], axis=1)
    # MessagePassing(aggr='add'), message returns x_j = x[row]; aggregate at col
    row, col = edge_index[0], edge_index[1]
    aggr = jax.ops.segment_sum(xc[row], col, num_segments=n)
    return aggr @ W  # update()


def reference(x, edge_index, W1, W2):
    n = x.shape[0]
    ew1 = _compute_edge_weight(edge_index, n)
    h = _custom_gcn_conv(x, edge_index, ew1, W1)
    ew2 = _compute_edge_weight(edge_index, n)
    h = jax.nn.relu(h)
    # F.dropout(p=0.2, training=False) -> identity in eval mode
    h = _custom_gcn_conv(h, edge_index, ew2, W2)
    return jax.nn.log_softmax(h, axis=1)

if __name__ == "__main__":
    import jax
    _d = setup_inputs()
    print(jax.jit(kernel)(*tuple(_d.values())))

</pallas_src>

<mosaic_0001>
#map = affine_map<(d0, d1) -> (0, 0)>
#map1 = affine_map<(d0, d1) -> (0, 0, 0, 0)>
#map2 = affine_map<(d0, d1) -> (0, 0, 0)>
module attributes {stable_mosaic.version = 14 : i64} {
  func.func @agg(%arg0: i32, %arg1: i32, %arg2: memref<10000x128xf32, #tpu.memory_space<hbm>>, %arg3: memref<10000x8xf32, #tpu.memory_space<hbm>>, %arg4: memref<2x16x216x64xi32, #tpu.memory_space<hbm>>, %arg5: memref<2x16x216x64xi32, #tpu.memory_space<hbm>>, %arg6: memref<10112x128xf32, #tpu.memory_space<hbm>>, %arg7: memref<10112x8xf32, #tpu.memory_space<hbm>>, %arg8: memref<2x10112x128xf32, #tpu.memory_space<hbm>>, %arg9: memref<2x10112x8xf32, #tpu.memory_space<hbm>>, %arg10: memref<216x64xi32, #tpu.memory_space<vmem>>, %arg11: memref<216x64xi32, #tpu.memory_space<vmem>>, %arg12: memref<64x128xf32, #tpu.memory_space<vmem>>, %arg13: memref<64x128xf32, #tpu.memory_space<vmem>>, %arg14: memref<64x8xf32, #tpu.memory_space<vmem>>, %arg15: memref<64x8xf32, #tpu.memory_space<vmem>>, %arg16: memref<10112x128xf32, #tpu.memory_space<vmem_shared>>, %arg17: memref<10112x8xf32, #tpu.memory_space<vmem_shared>>, %arg18: memref<!tpu.dma_semaphore, #tpu.memory_space<semaphore_mem>>, %arg19: memref<!tpu.dma_semaphore, #tpu.memory_space<semaphore_mem>>, %arg20: memref<!tpu.dma_semaphore, #tpu.memory_space<semaphore_mem>>, %arg21: memref<!tpu.dma_semaphore, #tpu.memory_space<semaphore_mem>>) attributes {dimension_semantics = [#tpu.dimension_semantics<core_parallel>, #tpu.dimension_semantics<subcore_parallel>], iteration_bounds = array<i64: 2, 16>, scalar_prefetch = 0 : i64, scratch_operands = 12 : i64, tpu.core_type = #tpu.core_type<sc_vector_subcore>, window_params = [{transform_indices = #map}, {transform_indices = #map}, {transform_indices = #map1}, {transform_indices = #map1}, {transform_indices = #map}, {transform_indices = #map}, {transform_indices = #map2}, {transform_indices = #map2}]} {
    %eq3A = arith.constant 0 : i32
    %eq3A_0 = arith.cmpi eq, %arg0, %eq3A : i32
    %jit3A = arith.constant 216 : i32
    %jit3A_1 = arith.constant 100 : i32
    %select_n3A = arith.select %eq3A_0, %jit3A, %jit3A_1 : i32
    "tpu.region"() ({
      %run_scoped3A = tpu.sem_alloc : memref<!tpu.dma_semaphore, #tpu.memory_space<semaphore_mem>>
      %dma_start3A_58 = arith.constant 0 : i32
      %dma_start3A_59 = arith.constant 0 : i32
      %dma_start3A_60 = tpu.memref_slice %arg4[%arg0, %arg1, %dma_start3A_58, %dma_start3A_59] : memref<2x16x216x64xi32, #tpu.memory_space<hbm>> -> memref<1x1x216x64xi32, #tpu.memory_space<hbm>>
      %dma_start3A_61 = tpu.memref_squeeze %dma_start3A_60 : memref<1x1x216x64xi32, #tpu.memory_space<hbm>> -> memref<216x64xi32, #tpu.memory_space<hbm>>
      %dma_start3A_62 = arith.constant 0 : i32
      %dma_start3A_63 = arith.constant 0 : i32
      %dma_start3A_64 = tpu.memref_slice %arg4[%arg0, %arg1, %dma_start3A_62, %dma_start3A_63] : memref<2x16x216x64xi32, #tpu.memory_space<hbm>> -> memref<1x1x216x64xi32, #tpu.memory_space<hbm>>
      %dma_start3A_65 = tpu.memref_squeeze %dma_start3A_64 : memref<1x1x216x64xi32, #tpu.memory_space<hbm>> -> memref<216x64xi32, #tpu.memory_space<hbm>>
      tpu.enqueue_dma source(%dma_start3A_65 : memref<216x64xi32, #tpu.memory_space<hbm>>) target(%arg10 : memref<216x64xi32, #tpu.memory_space<vmem>>) target_semaphore(%run_scoped3A : memref<!tpu.dma_semaphore, #tpu.memory_space<semaphore_mem>>)
      %dma_wait3A = arith.constant 0 : i32
      %dma_wait3A_66 = arith.constant 0 : i32
      %dma_wait3A_67 = tpu.memref_slice %arg4[%arg0, %arg1, %dma_wait3A, %dma_wait3A_66] : memref<2x16x216x64xi32, #tpu.memory_space<hbm>> -> memref<1x1x216x64xi32, #tpu.memory_space<hbm>>
      %dma_wait3A_68 = tpu.memref_squeeze %dma_wait3A_67 : memref<1x1x216x64xi32, #tpu.memory_space<hbm>> -> memref<216x64xi32, #tpu.memory_space<hbm>>
      %dma_wait3A_69 = arith.constant 0 : i32
      %dma_wait3A_70 = arith.constant 0 : i32
      %dma_wait3A_71 = tpu.memref_slice %arg4[%arg0, %arg1, %dma_wait3A_69, %dma_wait3A_70] : memref<2x16x216x64xi32, #tpu.memory_space<hbm>> -> memref<1x1x216x64xi32, #tpu.memory_space<hbm>>
      %dma_wait3A_72 = tpu.memref_squeeze %dma_wait3A_71 : memref<1x1x216x64xi32, #tpu.memory_space<hbm>> -> memref<216x64xi32, #tpu.memory_space<hbm>>
      tpu.wait_dma2 semaphore(%run_scoped3A : memref<!tpu.dma_semaphore, #tpu.memory_space<semaphore_mem>>) src(%dma_wait3A_72 : memref<216x64xi32, #tpu.memory_space<hbm>>) dst(%arg10 : memref<216x64xi32, #tpu.memory_space<vmem>>)
      tpu.yield
    }) : () -> ()
    "tpu.region"() ({
      %run_scoped3A = tpu.sem_alloc : memref<!tpu.dma_semaphore, #tpu.memory_space<semaphore_mem>>
      %dma_start3A_58 = arith.constant 0 : i32
      %dma_start3A_59 = arith.constant 0 : i32
      %dma_start3A_60 = tpu.memref_slice %arg5[%arg0, %arg1, %dma_start3A_58, %dma_start3A_59] : memref<2x16x216x64xi32, #tpu.memory_space<hbm>> -> memref<1x1x216x64xi32, #tpu.memory_space<hbm>>
      %dma_start3A_61 = tpu.memref_squeeze %dma_start3A_60 : memref<1x1x216x64xi32, #tpu.memory_space<hbm>> -> memref<216x64xi32, #tpu.memory_space<hbm>>
      %dma_start3A_62 = arith.constant 0 : i32
      %dma_start3A_63 = arith.constant 0 : i32
      %dma_start3A_64 = tpu.memref_slice %arg5[%arg0, %arg1, %dma_start3A_62, %dma_start3A_63] : memref<2x16x216x64xi32, #tpu.memory_space<hbm>> -> memref<1x1x216x64xi32, #tpu.memory_space<hbm>>
      %dma_start3A_65 = tpu.memref_squeeze %dma_start3A_64 : memref<1x1x216x64xi32, #tpu.memory_space<hbm>> -> memref<216x64xi32, #tpu.memory_space<hbm>>
      tpu.enqueue_dma source(%dma_start3A_65 : memref<216x64xi32, #tpu.memory_space<hbm>>) target(%arg11 : memref<216x64xi32, #tpu.memory_space<vmem>>) target_semaphore(%run_scoped3A : memref<!tpu.dma_semaphore, #tpu.memory_space<semaphore_mem>>)
      %dma_wait3A = arith.constant 0 : i32
      %dma_wait3A_66 = arith.constant 0 : i32
      %dma_wait3A_67 = tpu.memref_slice %arg5[%arg0, %arg1, %dma_wait3A, %dma_wait3A_66] : memref<2x16x216x64xi32, #tpu.memory_space<hbm>> -> memref<1x1x216x64xi32, #tpu.memory_space<hbm>>
      %dma_wait3A_68 = tpu.memref_squeeze %dma_wait3A_67 : memref<1x1x216x64xi32, #tpu.memory_space<hbm>> -> memref<216x64xi32, #tpu.memory_space<hbm>>
      %dma_wait3A_69 = arith.constant 0 : i32
      %dma_wait3A_70 = arith.constant 0 : i32
      %dma_wait3A_71 = tpu.memref_slice %arg5[%arg0, %arg1, %dma_wait3A_69, %dma_wait3A_70] : memref<2x16x216x64xi32, #tpu.memory_space<hbm>> -> memref<1x1x216x64xi32, #tpu.memory_space<hbm>>
      %dma_wait3A_72 = tpu.memref_squeeze %dma_wait3A_71 : memref<1x1x216x64xi32, #tpu.memory_space<hbm>> -> memref<216x64xi32, #tpu.memory_space<hbm>>
      tpu.wait_dma2 semaphore(%run_scoped3A : memref<!tpu.dma_semaphore, #tpu.memory_space<semaphore_mem>>) src(%dma_wait3A_72 : memref<216x64xi32, #tpu.memory_space<hbm>>) dst(%arg11 : memref<216x64xi32, #tpu.memory_space<vmem>>)
      tpu.yield
    }) : () -> ()
    %mul3A = arith.constant 632 : i32
    %mul3A_2 = arith.muli %arg1, %mul3A : i32
    "tpu.region"() ({
      %run_scoped3A = tpu.sem_alloc : memref<!tpu.dma_semaphore, #tpu.memory_space<semaphore_mem>>
      %dma_start3A_58 = arith.constant 0 : i32
      %dma_start3A_59 = tpu.memref_slice %arg16[%mul3A_2, %dma_start3A_58] : memref<10112x128xf32, #tpu.memory_space<vmem_shared>> -> memref<632x128xf32, #tpu.memory_space<vmem_shared>>
      %dma_start3A_60 = arith.constant 0 : i32
      %dma_start3A_61 = tpu.memref_slice %arg6[%mul3A_2, %dma_start3A_60] : memref<10112x128xf32, #tpu.memory_space<hbm>> -> memref<632x128xf32, #tpu.memory_space<hbm>>
      tpu.enqueue_dma source(%dma_start3A_61 : memref<632x128xf32, #tpu.memory_space<hbm>>) target(%dma_start3A_59 : memref<632x128xf32, #tpu.memory_space<vmem_shared>>) target_semaphore(%run_scoped3A : memref<!tpu.dma_semaphore, #tpu.memory_space<semaphore_mem>>)
      %dma_wait3A = arith.constant 0 : i32
      %dma_wait3A_62 = tpu.memref_slice %arg16[%mul3A_2, %dma_wait3A] : memref<10112x128xf32, #tpu.memory_space<vmem_shared>> -> memref<632x128xf32, #tpu.memory_space<vmem_shared>>
      %dma_wait3A_63 = arith.constant 0 : i32
      %dma_wait3A_64 = tpu.memref_slice %arg6[%mul3A_2, %dma_wait3A_63] : memref<10112x128xf32, #tpu.memory_space<hbm>> -> memref<632x128xf32, #tpu.memory_space<hbm>>
      tpu.wait_dma2 semaphore(%run_scoped3A : memref<!tpu.dma_semaphore, #tpu.memory_space<semaphore_mem>>) src(%dma_wait3A_64 : memref<632x128xf32, #tpu.memory_space<hbm>>) dst(%dma_wait3A_62 : memref<632x128xf32, #tpu.memory_space<vmem_shared>>)
      tpu.yield
    }) : () -> ()
    "tpu.region"() ({
      %run_scoped3A = tpu.sem_alloc : memref<!tpu.dma_semaphore, #tpu.memory_space<semaphore_mem>>
      %dma_start3A_58 = arith.constant 0 : i32
      %dma_start3A_59 = tpu.memref_slice %arg17[%mul3A_2, %dma_start3A_58] : memref<10112x8xf32, #tpu.memory_space<vmem_shared>> -> memref<632x8xf32, #tpu.memory_space<vmem_shared>>
      %dma_start3A_60 = arith.constant 0 : i32
      %dma_start3A_61 = tpu.memref_slice %arg7[%mul3A_2, %dma_start3A_60] : memref<10112x8xf32, #tpu.memory_space<hbm>> -> memref<632x8xf32, #tpu.memory_space<hbm>>
      tpu.enqueue_dma source(%dma_start3A_61 : memref<632x8xf32, #tpu.memory_space<hbm>>) target(%dma_start3A_59 : memref<632x8xf32, #tpu.memory_space<vmem_shared>>) target_semaphore(%run_scoped3A : memref<!tpu.dma_semaphore, #tpu.memory_space<semaphore_mem>>)
      %dma_wait3A = arith.constant 0 : i32
      %dma_wait3A_62 = tpu.memref_slice %arg17[%mul3A_2, %dma_wait3A] : memref<10112x8xf32, #tpu.memory_space<vmem_shared>> -> memref<632x8xf32, #tpu.memory_space<vmem_shared>>
      %dma_wait3A_63 = arith.constant 0 : i32
      %dma_wait3A_64 = tpu.memref_slice %arg7[%mul3A_2, %dma_wait3A_63] : memref<10112x8xf32, #tpu.memory_space<hbm>> -> memref<632x8xf32, #tpu.memory_space<hbm>>
      tpu.wait_dma2 semaphore(%run_scoped3A : memref<!tpu.dma_semaphore, #tpu.memory_space<semaphore_mem>>) src(%dma_wait3A_64 : memref<632x8xf32, #tpu.memory_space<hbm>>) dst(%dma_wait3A_62 : memref<632x8xf32, #tpu.memory_space<vmem_shared>>)
      tpu.yield
    }) : () -> ()
    %barrier3A = arith.constant 0 : index
    tpu.barrier barrier_id(%barrier3A)
    %dma_start3A = arith.constant 0 : i32
    %dma_start3A_3 = arith.constant 0 : i32
    %dma_start3A_4 = tpu.memref_slice %arg10[%dma_start3A, %dma_start3A_3] : memref<216x64xi32, #tpu.memory_space<vmem>> -> memref<1x64xi32, #tpu.memory_space<vmem>>
    %dma_start3A_5 = tpu.memref_squeeze %dma_start3A_4 : memref<1x64xi32, #tpu.memory_space<vmem>> -> memref<64xi32, #tpu.memory_space<vmem>>
    %dma_start3A_6 = arith.constant 0 : i32
    %dma_start3A_7 = arith.constant 0 : i32
    %dma_start3A_8 = tpu.memref_slice %arg2[%dma_start3A_6, %dma_start3A_7] : memref<10000x128xf32, #tpu.memory_space<hbm>> -> memref<10000x128xf32, #tpu.memory_space<hbm>>
    tpu.enqueue_indirect_dma source(%dma_start3A_8 : memref<10000x128xf32, #tpu.memory_space<hbm>>) target(%arg12 : memref<64x128xf32, #tpu.memory_space<vmem>>) offsets(%dma_start3A_5 : memref<64xi32, #tpu.memory_space<vmem>>) semaphore(%arg18 : memref<!tpu.dma_semaphore, #tpu.memory_space<semaphore_mem>>)
    %dma_start3A_9 = arith.constant 0 : i32
    %dma_start3A_10 = arith.constant 0 : i32
    %dma_start3A_11 = tpu.memref_slice %arg10[%dma_start3A_9, %dma_start3A_10] : memref<216x64xi32, #tpu.memory_space<vmem>> -> memref<1x64xi32, #tpu.memory_space<vmem>>
    %dma_start3A_12 = tpu.memref_squeeze %dma_start3A_11 : memref<1x64xi32, #tpu.memory_space<vmem>> -> memref<64xi32, #tpu.memory_space<vmem>>
    %dma_start3A_13 = arith.constant 0 : i32
    %dma_start3A_14 = arith.constant 0 : i32
    %dma_start3A_15 = tpu.memref_slice %arg3[%dma_start3A_13, %dma_start3A_14] : memref<10000x8xf32, #tpu.memory_space<hbm>> -> memref<10000x8xf32, #tpu.memory_space<hbm>>
    tpu.enqueue_indirect_dma source(%dma_start3A_15 : memref<10000x8xf32, #tpu.memory_space<hbm>>) target(%arg14 : memref<64x8xf32, #tpu.memory_space<vmem>>) offsets(%dma_start3A_12 : memref<64xi32, #tpu.memory_space<vmem>>) semaphore(%arg20 : memref<!tpu.dma_semaphore, #tpu.memory_space<semaphore_mem>>)
    %dma_start3A_16 = arith.constant 1 : i32
    %dma_start3A_17 = arith.constant 0 : i32
    %dma_start3A_18 = tpu.memref_slice %arg10[%dma_start3A_16, %dma_start3A_17] : memref<216x64xi32, #tpu.memory_space<vmem>> -> memref<1x64xi32, #tpu.memory_space<vmem>>
    %dma_start3A_19 = tpu.memref_squeeze %dma_start3A_18 : memref<1x64xi32, #tpu.memory_space<vmem>> -> memref<64xi32, #tpu.memory_space<vmem>>
    %dma_start3A_20 = arith.constant 0 : i32
    %dma_start3A_21 = arith.constant 0 : i32
    %dma_start3A_22 = tpu.memref_slice %arg2[%dma_start3A_20, %dma_start3A_21] : memref<10000x128xf32, #tpu.memory_space<hbm>> -> memref<10000x128xf32, #tpu.memory_space<hbm>>
    tpu.enqueue_indirect_dma source(%dma_start3A_22 : memref<10000x128xf32, #tpu.memory_space<hbm>>) target(%arg13 : memref<64x128xf32, #tpu.memory_space<vmem>>) offsets(%dma_start3A_19 : memref<64xi32, #tpu.memory_space<vmem>>) semaphore(%arg19 : memref<!tpu.dma_semaphore, #tpu.memory_space<semaphore_mem>>)
    %dma_start3A_23 = arith.constant 1 : i32
    %dma_start3A_24 = arith.constant 0 : i32
    %dma_start3A_25 = tpu.memref_slice %arg10[%dma_start3A_23, %dma_start3A_24] : memref<216x64xi32, #tpu.memory_space<vmem>> -> memref<1x64xi32, #tpu.memory_space<vmem>>
    %dma_start3A_26 = tpu.memref_squeeze %dma_start3A_25 : memref<1x64xi32, #tpu.memory_space<vmem>> -> memref<64xi32, #tpu.memory_space<vmem>>
    %dma_start3A_27 = arith.constant 0 : i32
    %dma_start3A_28 = arith.constant 0 : i32
    %dma_start3A_29 = tpu.memref_slice %arg3[%dma_start3A_27, %dma_start3A_28] : memref<10000x8xf32, #tpu.memory_space<hbm>> -> memref<10000x8xf32, #tpu.memory_space<hbm>>
    tpu.enqueue_indirect_dma source(%dma_start3A_29 : memref<10000x8xf32, #tpu.memory_space<hbm>>) target(%arg15 : memref<64x8xf32, #tpu.memory_space<vmem>>) offsets(%dma_start3A_26 : memref<64xi32, #tpu.memory_space<vmem>>) semaphore(%arg21 : memref<!tpu.dma_semaphore, #tpu.memory_space<semaphore_mem>>)
    %jit3A_30 = arith.constant 2 : i32
    %div3A = arith.divsi %select_n3A, %jit3A_30 : i32
    %sign3A = arith.constant 0 : i32
    %sign3A_31 = arith.cmpi sgt, %select_n3A, %sign3A : i32
    %sign3A_32 = arith.extui %sign3A_31 : i1 to i32
    %sign3A_33 = arith.constant 0 : i32
    %sign3A_34 = arith.cmpi slt, %select_n3A, %sign3A_33 : i32
    %sign3A_35 = arith.extui %sign3A_34 : i1 to i32
    %sign3A_36 = arith.subi %sign3A_32, %sign3A_35 : i32
    %sign3A_37 = arith.constant 0 : i32
    %sign3A_38 = arith.cmpi sgt, %jit3A_30, %sign3A_37 : i32
    %sign3A_39 = arith.extui %sign3A_38 : i1 to i32
    %sign3A_40 = arith.constant 0 : i32
    %sign3A_41 = arith.cmpi slt, %jit3A_30, %sign3A_40 : i32
    %sign3A_42 = arith.extui %sign3A_41 : i1 to i32
    %sign3A_43 = arith.subi %sign3A_39, %sign3A_42 : i32
    %ne3A = arith.cmpi ne, %sign3A_36, %sign3A_43 : i32
    %rem3A = arith.remsi %select_n3A, %jit3A_30 : i32
    %ne3A_44 = arith.constant 0 : i32
    %ne3A_45 = arith.cmpi ne, %rem3A, %ne3A_44 : i32
    %and3A = arith.andi %ne3A, %ne3A_45 : i1
    %sub3A = arith.constant 1 : i32
    %sub3A_46 = arith.subi %div3A, %sub3A : i32
    %select_n3A_47 = arith.select %and3A, %sub3A_46, %div3A : i32
    %while3A = arith.constant 0 : i32
    %while3A_48 = arith.constant 0 : i32
    %while3A_49 = arith.subi %select_n3A_47, %while3A_48 : i32
    %while3A_50 = arith.addi %while3A_48, %while3A_49 : i32
    %while3A_51 = arith.constant 1 : i32
    %while3A_52 = arith.divsi %while3A_49, %while3A_51 : i32
    %while3A_53 = arith.muli %while3A_52, %while3A_51 : i32
    %while3A_54 = arith.addi %while3A_48, %while3A_53 : i32
    %while3A_55 = arith.constant 1 : i32
    scf.for %while3A_58 = %while3A_48 to %while3A_54 step %while3A_55  : i32 {
      %mul3A_59 = arith.constant 2 : i32
      %mul3A_60 = arith.muli %while3A_58, %mul3A_59 : i32
      %add3A = arith.constant 0 : i32
      %add3A_61 = arith.addi %mul3A_60, %add3A : i32
      %dma_wait3A = arith.constant 0 : i32
      %dma_wait3A_62 = tpu.memref_slice %arg10[%add3A_61, %dma_wait3A] : memref<216x64xi32, #tpu.memory_space<vmem>> -> memref<1x64xi32, #tpu.memory_space<vmem>>
      %dma_wait3A_63 = tpu.memref_squeeze %dma_wait3A_62 : memref<1x64xi32, #tpu.memory_space<vmem>> -> memref<64xi32, #tpu.memory_space<vmem>>
      %dma_wait3A_64 = arith.constant 0 : i32
      %dma_wait3A_65 = arith.constant 0 : i32
      %dma_wait3A_66 = tpu.memref_slice %arg2[%dma_wait3A_64, %dma_wait3A_65] : memref<10000x128xf32, #tpu.memory_space<hbm>> -> memref<10000x128xf32, #tpu.memory_space<hbm>>
      tpu.wait_indirect_dma semaphore(%arg18 : memref<!tpu.dma_semaphore, #tpu.memory_space<semaphore_mem>>) src(%dma_wait3A_66 : memref<10000x128xf32, #tpu.memory_space<hbm>>) dst(%arg12 : memref<64x128xf32, #tpu.memory_space<vmem>>)
      "tpu.region"() ({
        %run_scoped3A = tpu.sem_alloc : memref<!tpu.dma_semaphore, #tpu.memory_space<semaphore_mem>>
        %dma_start3A_108 = arith.constant 0 : i32
        %dma_start3A_109 = tpu.memref_slice %arg11[%add3A_61, %dma_start3A_108] : memref<216x64xi32, #tpu.memory_space<vmem>> -> memref<1x64xi32, #tpu.memory_space<vmem>>
        %dma_start3A_110 = tpu.memref_squeeze %dma_start3A_109 : memref<1x64xi32, #tpu.memory_space<vmem>> -> memref<64xi32, #tpu.memory_space<vmem>>
        %dma_start3A_111 = arith.constant 0 : i32
        %dma_start3A_112 = arith.constant 0 : i32
        %dma_start3A_113 = tpu.memref_slice %arg16[%dma_start3A_111, %dma_start3A_112] : memref<10112x128xf32, #tpu.memory_space<vmem_shared>> -> memref<10112x128xf32, #tpu.memory_space<vmem_shared>>
        tpu.enqueue_indirect_dma source(%arg12 : memref<64x128xf32, #tpu.memory_space<vmem>>) target(%dma_start3A_113 : memref<10112x128xf32, #tpu.memory_space<vmem_shared>>) offsets(%dma_start3A_110 : memref<64xi32, #tpu.memory_space<vmem>>) semaphore(%run_scoped3A : memref<!tpu.dma_semaphore, #tpu.memory_space<semaphore_mem>>) {add = true}
        %dma_wait3A_114 = arith.constant 0 : i32
        %dma_wait3A_115 = tpu.memref_slice %arg11[%add3A_61, %dma_wait3A_114] : memref<216x64xi32, #tpu.memory_space<vmem>> -> memref<1x64xi32, #tpu.memory_space<vmem>>
        %dma_wait3A_116 = tpu.memref_squeeze %dma_wait3A_115 : memref<1x64xi32, #tpu.memory_space<vmem>> -> memref<64xi32, #tpu.memory_space<vmem>>
        %dma_wait3A_117 = arith.constant 0 : i32
        %dma_wait3A_118 = arith.constant 0 : i32
        %dma_wait3A_119 = tpu.memref_slice %arg16[%dma_wait3A_117, %dma_wait3A_118] : memref<10112x128xf32, #tpu.memory_space<vmem_shared>> -> memref<10112x128xf32, #tpu.memory_space<vmem_shared>>
        tpu.wait_indirect_dma semaphore(%run_scoped3A : memref<!tpu.dma_semaphore, #tpu.memory_space<semaphore_mem>>) src(%arg12 : memref<64x128xf32, #tpu.memory_space<vmem>>) dst(%dma_wait3A_119 : memref<10112x128xf32, #tpu.memory_space<vmem_shared>>)
        tpu.yield
      }) : () -> ()
      %add3A_67 = arith.constant 2 : i32
      %add3A_68 = arith.addi %add3A_61, %add3A_67 : i32
      %lt3A = arith.cmpi slt, %add3A_68, %select_n3A : i32
      %convert_element_type3A = arith.extui %lt3A : i1 to i32
      %cond3A = arith.constant 0 : i32
      %cond3A_69 = arith.cmpi ne, %convert_element_type3A, %cond3A : i32
      scf.if %cond3A_69 {
        %add3A_108 = arith.constant 2 : i32
        %add3A_109 = arith.addi %add3A_61, %add3A_108 : i32
        %dma_start3A_110 = arith.constant 0 : i32
        %dma_start3A_111 = tpu.memref_slice %arg10[%add3A_109, %dma_start3A_110] : memref<216x64xi32, #tpu.memory_space<vmem>> -> memref<1x64xi32, #tpu.memory_space<vmem>>
        %dma_start3A_112 = tpu.memref_squeeze %dma_start3A_111 : memref<1x64xi32, #tpu.memory_space<vmem>> -> memref<64xi32, #tpu.memory_space<vmem>>
        %dma_start3A_113 = arith.constant 0 : i32
        %dma_start3A_114 = arith.constant 0 : i32
        %dma_start3A_115 = tpu.memref_slice %arg2[%dma_start3A_113, %dma_start3A_114] : memref<10000x128xf32, #tpu.memory_space<hbm>> -> memref<10000x128xf32, #tpu.memory_space<hbm>>
        tpu.enqueue_indirect_dma source(%dma_start3A_115 : memref<10000x128xf32, #tpu.memory_space<hbm>>) target(%arg12 : memref<64x128xf32, #tpu.memory_space<vmem>>) offsets(%dma_start3A_112 : memref<64xi32, #tpu.memory_space<vmem>>) semaphore(%arg18 : memref<!tpu.dma_semaphore, #tpu.memory_space<semaphore_mem>>)
      } else {
      }
      %dma_wait3A_70 = arith.constant 0 : i32
      %dma_wait3A_71 = tpu.memref_slice %arg10[%add3A_61, %dma_wait3A_70] : memref<216x64xi32, #tpu.memory_space<vmem>> -> memref<1x64xi32, #tpu.memory_space<vmem>>
      %dma_wait3A_72 = tpu.memref_squeeze %dma_wait3A_71 : memref<1x64xi32, #tpu.memory_space<vmem>> -> memref<64xi32, #tpu.memory_space<vmem>>
      %dma_wait3A_73 = arith.constant 0 : i32
      %dma_wait3A_74 = arith.constant 0 : i32
      %dma_wait3A_75 = tpu.memref_slice %arg3[%dma_wait3A_73, %dma_wait3A_74] : memref<10000x8xf32, #tpu.memory_space<hbm>> -> memref<10000x8xf32, #tpu.memory_space<hbm>>
      tpu.wait_indirect_dma semaphore(%arg20 : memref<!tpu.dma_semaphore, #tpu.memory_space<semaphore_mem>>) src(%dma_wait3A_75 : memref<10000x8xf32, #tpu.memory_space<hbm>>) dst(%arg14 : memref<64x8xf32, #tpu.memory_space<vmem>>)
      "tpu.region"() ({
        %run_scoped3A = tpu.sem_alloc : memref<!tpu.dma_semaphore, #tpu.memory_space<semaphore_mem>>
        %dma_start3A_108 = arith.constant 0 : i32
        %dma_start3A_109 = tpu.memref_slice %arg11[%add3A_61, %dma_start3A_108] : memref<216x64xi32, #tpu.memory_space<vmem>> -> memref<1x64xi32, #tpu.memory_space<vmem>>
        %dma_start3A_110 = tpu.memref_squeeze %dma_start3A_109 : memref<1x64xi32, #tpu.memory_space<vmem>> -> memref<64xi32, #tpu.memory_space<vmem>>
        %dma_start3A_111 = arith.constant 0 : i32
        %dma_start3A_112 = arith.constant 0 : i32
        %dma_start3A_113 = tpu.memref_slice %arg17[%dma_start3A_111, %dma_start3A_112] : memref<10112x8xf32, #tpu.memory_space<vmem_shared>> -> memref<10112x8xf32, #tpu.memory_space<vmem_shared>>
        tpu.enqueue_indirect_dma source(%arg14 : memref<64x8xf32, #tpu.memory_space<vmem>>) target(%dma_start3A_113 : memref<10112x8xf32, #tpu.memory_space<vmem_shared>>) offsets(%dma_start3A_110 : memref<64xi32, #tpu.memory_space<vmem>>) semaphore(%run_scoped3A : memref<!tpu.dma_semaphore, #tpu.memory_space<semaphore_mem>>) {add = true}
        %dma_wait3A_114 = arith.constant 0 : i32
        %dma_wait3A_115 = tpu.memref_slice %arg11[%add3A_61, %dma_wait3A_114] : memref<216x64xi32, #tpu.memory_space<vmem>> -> memref<1x64xi32, #tpu.memory_space<vmem>>
        %dma_wait3A_116 = tpu.memref_squeeze %dma_wait3A_115 : memref<1x64xi32, #tpu.memory_space<vmem>> -> memref<64xi32, #tpu.memory_space<vmem>>
        %dma_wait3A_117 = arith.constant 0 : i32
        %dma_wait3A_118 = arith.constant 0 : i32
        %dma_wait3A_119 = tpu.memref_slice %arg17[%dma_wait3A_117, %dma_wait3A_118] : memref<10112x8xf32, #tpu.memory_space<vmem_shared>> -> memref<10112x8xf32, #tpu.memory_space<vmem_shared>>
        tpu.wait_indirect_dma semaphore(%run_scoped3A : memref<!tpu.dma_semaphore, #tpu.memory_space<semaphore_mem>>) src(%arg14 : memref<64x8xf32, #tpu.memory_space<vmem>>) dst(%dma_wait3A_119 : memref<10112x8xf32, #tpu.memory_space<vmem_shared>>)
        tpu.yield
      }) : () -> ()
      %add3A_76 = arith.constant 2 : i32
      %add3A_77 = arith.addi %add3A_61, %add3A_76 : i32
      %lt3A_78 = arith.cmpi slt, %add3A_77, %select_n3A : i32
      %convert_element_type3A_79 = arith.extui %lt3A_78 : i1 to i32
      %cond3A_80 = arith.constant 0 : i32
      %cond3A_81 = arith.cmpi ne, %convert_element_type3A_79, %cond3A_80 : i32
      scf.if %cond3A_81 {
        %add3A_108 = arith.constant 2 : i32
        %add3A_109 = arith.addi %add3A_61, %add3A_108 : i32
        %dma_start3A_110 = arith.constant 0 : i32
        %dma_start3A_111 = tpu.memref_slice %arg10[%add3A_109, %dma_start3A_110] : memref<216x64xi32, #tpu.memory_space<vmem>> -> memref<1x64xi32, #tpu.memory_space<vmem>>
        %dma_start3A_112 = tpu.memref_squeeze %dma_start3A_111 : memref<1x64xi32, #tpu.memory_space<vmem>> -> memref<64xi32, #tpu.memory_space<vmem>>
        %dma_start3A_113 = arith.constant 0 : i32
        %dma_start3A_114 = arith.constant 0 : i32
        %dma_start3A_115 = tpu.memref_slice %arg3[%dma_start3A_113, %dma_start3A_114] : memref<10000x8xf32, #tpu.memory_space<hbm>> -> memref<10000x8xf32, #tpu.memory_space<hbm>>
        tpu.enqueue_indirect_dma source(%dma_start3A_115 : memref<10000x8xf32, #tpu.memory_space<hbm>>) target(%arg14 : memref<64x8xf32, #tpu.memory_space<vmem>>) offsets(%dma_start3A_112 : memref<64xi32, #tpu.memory_space<vmem>>) semaphore(%arg20 : memref<!tpu.dma_semaphore, #tpu.memory_space<semaphore_mem>>)
      } else {
      }
      %add3A_82 = arith.constant 1 : i32
      %add3A_83 = arith.addi %mul3A_60, %add3A_82 : i32
      %dma_wait3A_84 = arith.constant 0 : i32
      %dma_wait3A_85 = tpu.memref_slice %arg10[%add3A_83, %dma_wait3A_84] : memref<216x64xi32, #tpu.memory_space<vmem>> -> memref<1x64xi32, #tpu.memory_space<vmem>>
      %dma_wait3A_86 = tpu.memref_squeeze %dma_wait3A_85 : memref<1x64xi32, #tpu.memory_space<vmem>> -> memref<64xi32, #tpu.memory_space<vmem>>
      %dma_wait3A_87 = arith.constant 0 : i32
      %dma_wait3A_88 = arith.constant 0 : i32
      %dma_wait3A_89 = tpu.memref_slice %arg2[%dma_wait3A_87, %dma_wait3A_88] : memref<10000x128xf32, #tpu.memory_space<hbm>> -> memref<10000x128xf32, #tpu.memory_space<hbm>>
      tpu.wait_indirect_dma semaphore(%arg19 : memref<!tpu.dma_semaphore, #tpu.memory_space<semaphore_mem>>) src(%dma_wait3A_89 : memref<10000x128xf32, #tpu.memory_space<hbm>>) dst(%arg13 : memref<64x128xf32, #tpu.memory_space<vmem>>)
      "tpu.region"() ({
        %run_scoped3A = tpu.sem_alloc : memref<!tpu.dma_semaphore, #tpu.memory_space<semaphore_mem>>
        %dma_start3A_108 = arith.constant 0 : i32
        %dma_start3A_109 = tpu.memref_slice %arg11[%add3A_83, %dma_start3A_108] : memref<216x64xi32, #tpu.memory_space<vmem>> -> memref<1x64xi32, #tpu.memory_space<vmem>>
        %dma_start3A_110 = tpu.memref_squeeze %dma_start3A_109 : memref<1x64xi32, #tpu.memory_space<vmem>> -> memref<64xi32, #tpu.memory_space<vmem>>
        %dma_start3A_111 = arith.constant 0 : i32
        %dma_start3A_112 = arith.constant 0 : i32
        %dma_start3A_113 = tpu.memref_slice %arg16[%dma_start3A_111, %dma_start3A_112] : memref<10112x128xf32, #tpu.memory_space<vmem_shared>> -> memref<10112x128xf32, #tpu.memory_space<vmem_shared>>
        tpu.enqueue_indirect_dma source(%arg13 : memref<64x128xf32, #tpu.memory_space<vmem>>) target(%dma_start3A_113 : memref<10112x128xf32, #tpu.memory_space<vmem_shared>>) offsets(%dma_start3A_110 : memref<64xi32, #tpu.memory_space<vmem>>) semaphore(%run_scoped3A : memref<!tpu.dma_semaphore, #tpu.memory_space<semaphore_mem>>) {add = true}
        %dma_wait3A_114 = arith.constant 0 : i32
        %dma_wait3A_115 = tpu.memref_slice %arg11[%add3A_83, %dma_wait3A_114] : memref<216x64xi32, #tpu.memory_space<vmem>> -> memref<1x64xi32, #tpu.memory_space<vmem>>
        %dma_wait3A_116 = tpu.memref_squeeze %dma_wait3A_115 : memref<1x64xi32, #tpu.memory_space<vmem>> -> memref<64xi32, #tpu.memory_space<vmem>>
        %dma_wait3A_117 = arith.constant 0 : i32
        %dma_wait3A_118 = arith.constant 0 : i32
        %dma_wait3A_119 = tpu.memref_slice %arg16[%dma_wait3A_117, %dma_wait3A_118] : memref<10112x128xf32, #tpu.memory_space<vmem_shared>> -> memref<10112x128xf32, #tpu.memory_space<vmem_shared>>
        tpu.wait_indirect_dma semaphore(%run_scoped3A : memref<!tpu.dma_semaphore, #tpu.memory_space<semaphore_mem>>) src(%arg13 : memref<64x128xf32, #tpu.memory_space<vmem>>) dst(%dma_wait3A_119 : memref<10112x128xf32, #tpu.memory_space<vmem_shared>>)
        tpu.yield
      }) : () -> ()
      %add3A_90 = arith.constant 2 : i32
      %add3A_91 = arith.addi %add3A_83, %add3A_90 : i32
      %lt3A_92 = arith.cmpi slt, %add3A_91, %select_n3A : i32
      %convert_element_type3A_93 = arith.extui %lt3A_92 : i1 to i32
      %cond3A_94 = arith.constant 0 : i32
      %cond3A_95 = arith.cmpi ne, %convert_element_type3A_93, %cond3A_94 : i32
      scf.if %cond3A_95 {
        %add3A_108 = arith.constant 2 : i32
        %add3A_109 = arith.addi %add3A_83, %add3A_108 : i32
        %dma_start3A_110 = arith.constant 0 : i32
        %dma_start3A_111 = tpu.memref_slice %arg10[%add3A_109, %dma_start3A_110] : memref<216x64xi32, #tpu.memory_space<vmem>> -> memref<1x64xi32, #tpu.memory_space<vmem>>
        %dma_start3A_112 = tpu.memref_squeeze %dma_start3A_111 : memref<1x64xi32, #tpu.memory_space<vmem>> -> memref<64xi32, #tpu.memory_space<vmem>>
        %dma_start3A_113 = arith.constant 0 : i32
        %dma_start3A_114 = arith.constant 0 : i32
        %dma_start3A_115 = tpu.memref_slice %arg2[%dma_start3A_113, %dma_start3A_114] : memref<10000x128xf32, #tpu.memory_space<hbm>> -> memref<10000x128xf32, #tpu.memory_space<hbm>>
        tpu.enqueue_indirect_dma source(%dma_start3A_115 : memref<10000x128xf32, #tpu.memory_space<hbm>>) target(%arg13 : memref<64x128xf32, #tpu.memory_space<vmem>>) offsets(%dma_start3A_112 : memref<64xi32, #tpu.memory_space<vmem>>) semaphore(%arg19 : memref<!tpu.dma_semaphore, #tpu.memory_space<semaphore_mem>>)
      } else {
      }
      %dma_wait3A_96 = arith.constant 0 : i32
      %dma_wait3A_97 = tpu.memref_slice %arg10[%add3A_83, %dma_wait3A_96] : memref<216x64xi32, #tpu.memory_space<vmem>> -> memref<1x64xi32, #tpu.memory_space<vmem>>
      %dma_wait3A_98 = tpu.memref_squeeze %dma_wait3A_97 : memref<1x64xi32, #tpu.memory_space<vmem>> -> memref<64xi32, #tpu.memory_space<vmem>>
      %dma_wait3A_99 = arith.constant 0 : i32
      %dma_wait3A_100 = arith.constant 0 : i32
      %dma_wait3A_101 = tpu.memref_slice %arg3[%dma_wait3A_99, %dma_wait3A_100] : memref<10000x8xf32, #tpu.memory_space<hbm>> -> memref<10000x8xf32, #tpu.memory_space<hbm>>
      tpu.wait_indirect_dma semaphore(%arg21 : memref<!tpu.dma_semaphore, #tpu.memory_space<semaphore_mem>>) src(%dma_wait3A_101 : memref<10000x8xf32, #tpu.memory_space<hbm>>) dst(%arg15 : memref<64x8xf32, #tpu.memory_space<vmem>>)
      "tpu.region"() ({
        %run_scoped3A = tpu.sem_alloc : memref<!tpu.dma_semaphore, #tpu.memory_space<semaphore_mem>>
        %dma_start3A_108 = arith.constant 0 : i32
        %dma_start3A_109 = tpu.memref_slice %arg11[%add3A_83, %dma_start3A_108] : memref<216x64xi32, #tpu.memory_space<vmem>> -> memref<1x64xi32, #tpu.memory_space<vmem>>
        %dma_start3A_110 = tpu.memref_squeeze %dma_start3A_109 : memref<1x64xi32, #tpu.memory_space<vmem>> -> memref<64xi32, #tpu.memory_space<vmem>>
        %dma_start3A_111 = arith.constant 0 : i32
        %dma_start3A_112 = arith.constant 0 : i32
        %dma_start3A_113 = tpu.memref_slice %arg17[%dma_start3A_111, %dma_start3A_112] : memref<10112x8xf32, #tpu.memory_space<vmem_shared>> -> memref<10112x8xf32, #tpu.memory_space<vmem_shared>>
        tpu.enqueue_indirect_dma source(%arg15 : memref<64x8xf32, #tpu.memory_space<vmem>>) target(%dma_start3A_113 : memref<10112x8xf32, #tpu.memory_space<vmem_shared>>) offsets(%dma_start3A_110 : memref<64xi32, #tpu.memory_space<vmem>>) semaphore(%run_scoped3A : memref<!tpu.dma_semaphore, #tpu.memory_space<semaphore_mem>>) {add = true}
        %dma_wait3A_114 = arith.constant 0 : i32
        %dma_wait3A_115 = tpu.memref_slice %arg11[%add3A_83, %dma_wait3A_114] : memref<216x64xi32, #tpu.memory_space<vmem>> -> memref<1x64xi32, #tpu.memory_space<vmem>>
        %dma_wait3A_116 = tpu.memref_squeeze %dma_wait3A_115 : memref<1x64xi32, #tpu.memory_space<vmem>> -> memref<64xi32, #tpu.memory_space<vmem>>
        %dma_wait3A_117 = arith.constant 0 : i32
        %dma_wait3A_118 = arith.constant 0 : i32
        %dma_wait3A_119 = tpu.memref_slice %arg17[%dma_wait3A_117, %dma_wait3A_118] : memref<10112x8xf32, #tpu.memory_space<vmem_shared>> -> memref<10112x8xf32, #tpu.memory_space<vmem_shared>>
        tpu.wait_indirect_dma semaphore(%run_scoped3A : memref<!tpu.dma_semaphore, #tpu.memory_space<semaphore_mem>>) src(%arg15 : memref<64x8xf32, #tpu.memory_space<vmem>>) dst(%dma_wait3A_119 : memref<10112x8xf32, #tpu.memory_space<vmem_shared>>)
        tpu.yield
      }) : () -> ()
      %add3A_102 = arith.constant 2 : i32
      %add3A_103 = arith.addi %add3A_83, %add3A_102 : i32
      %lt3A_104 = arith.cmpi slt, %add3A_103, %select_n3A : i32
      %convert_element_type3A_105 = arith.extui %lt3A_104 : i1 to i32
      %cond3A_106 = arith.constant 0 : i32
      %cond3A_107 = arith.cmpi ne, %convert_element_type3A_105, %cond3A_106 : i32
      scf.if %cond3A_107 {
        %add3A_108 = arith.constant 2 : i32
        %add3A_109 = arith.addi %add3A_83, %add3A_108 : i32
        %dma_start3A_110 = arith.constant 0 : i32
        %dma_start3A_111 = tpu.memref_slice %arg10[%add3A_109, %dma_start3A_110] : memref<216x64xi32, #tpu.memory_space<vmem>> -> memref<1x64xi32, #tpu.memory_space<vmem>>
        %dma_start3A_112 = tpu.memref_squeeze %dma_start3A_111 : memref<1x64xi32, #tpu.memory_space<vmem>> -> memref<64xi32, #tpu.memory_space<vmem>>
        %dma_start3A_113 = arith.constant 0 : i32
        %dma_start3A_114 = arith.constant 0 : i32
        %dma_start3A_115 = tpu.memref_slice %arg3[%dma_start3A_113, %dma_start3A_114] : memref<10000x8xf32, #tpu.memory_space<hbm>> -> memref<10000x8xf32, #tpu.memory_space<hbm>>
        tpu.enqueue_indirect_dma source(%dma_start3A_115 : memref<10000x8xf32, #tpu.memory_space<hbm>>) target(%arg15 : memref<64x8xf32, #tpu.memory_space<vmem>>) offsets(%dma_start3A_112 : memref<64xi32, #tpu.memory_space<vmem>>) semaphore(%arg21 : memref<!tpu.dma_semaphore, #tpu.memory_space<semaphore_mem>>)
      } else {
      }
    }
    %while3A_56 = arith.constant 1 : i32
    scf.for %while3A_58 = %while3A_54 to %while3A_50 step %while3A_56  : i32 {
      %mul3A_59 = arith.constant 2 : i32
      %mul3A_60 = arith.muli %while3A_58, %mul3A_59 : i32
      %add3A = arith.constant 0 : i32
      %add3A_61 = arith.addi %mul3A_60, %add3A : i32
      %dma_wait3A = arith.constant 0 : i32
      %dma_wait3A_62 = tpu.memref_slice %arg10[%add3A_61, %dma_wait3A] : memref<216x64xi32, #tpu.memory_space<vmem>> -> memref<1x64xi32, #tpu.memory_space<vmem>>
      %dma_wait3A_63 = tpu.memref_squeeze %dma_wait3A_62 : memref<1x64xi32, #tpu.memory_space<vmem>> -> memref<64xi32, #tpu.memory_space<vmem>>
      %dma_wait3A_64 = arith.constant 0 : i32
      %dma_wait3A_65 = arith.constant 0 : i32
      %dma_wait3A_66 = tpu.memref_slice %arg2[%dma_wait3A_64, %dma_wait3A_65] : memref<10000x128xf32, #tpu.memory_space<hbm>> -> memref<10000x128xf32, #tpu.memory_space<hbm>>
      tpu.wait_indirect_dma semaphore(%arg18 : memref<!tpu.dma_semaphore, #tpu.memory_space<semaphore_mem>>) src(%dma_wait3A_66 : memref<10000x128xf32, #tpu.memory_space<hbm>>) dst(%arg12 : memref<64x128xf32, #tpu.memory_space<vmem>>)
      "tpu.region"() ({
        %run_scoped3A = tpu.sem_alloc : memref<!tpu.dma_semaphore, #tpu.memory_space<semaphore_mem>>
        %dma_start3A_108 = arith.constant 0 : i32
        %dma_start3A_109 = tpu.memref_slice %arg11[%add3A_61, %dma_start3A_108] : memref<216x64xi32, #tpu.memory_space<vmem>> -> memref<1x64xi32, #tpu.memory_space<vmem>>
        %dma_start3A_110 = tpu.memref_squeeze %dma_start3A_109 : memref<1x64xi32, #tpu.memory_space<vmem>> -> memref<64xi32, #tpu.memory_space<vmem>>
        %dma_start3A_111 = arith.constant 0 : i32
        %dma_start3A_112 = arith.constant 0 : i32
        %dma_start3A_113 = tpu.memref_slice %arg16[%dma_start3A_111, %dma_start3A_112] : memref<10112x128xf32, #tpu.memory_space<vmem_shared>> -> memref<10112x128xf32, #tpu.memory_space<vmem_shared>>
        tpu.enqueue_indirect_dma source(%arg12 : memref<64x128xf32, #tpu.memory_space<vmem>>) target(%dma_start3A_113 : memref<10112x128xf32, #tpu.memory_space<vmem_shared>>) offsets(%dma_start3A_110 : memref<64xi32, #tpu.memory_space<vmem>>) semaphore(%run_scoped3A : memref<!tpu.dma_semaphore, #tpu.memory_space<semaphore_mem>>) {add = true}
        %dma_wait3A_114 = arith.constant 0 : i32
        %dma_wait3A_115 = tpu.memref_slice %arg11[%add3A_61, %dma_wait3A_114] : memref<216x64xi32, #tpu.memory_space<vmem>> -> memref<1x64xi32, #tpu.memory_space<vmem>>
        %dma_wait3A_116 = tpu.memref_squeeze %dma_wait3A_115 : memref<1x64xi32, #tpu.memory_space<vmem>> -> memref<64xi32, #tpu.memory_space<vmem>>
        %dma_wait3A_117 = arith.constant 0 : i32
        %dma_wait3A_118 = arith.constant 0 : i32
        %dma_wait3A_119 = tpu.memref_slice %arg16[%dma_wait3A_117, %dma_wait3A_118] : memref<10112x128xf32, #tpu.memory_space<vmem_shared>> -> memref<10112x128xf32, #tpu.memory_space<vmem_shared>>
        tpu.wait_indirect_dma semaphore(%run_scoped3A : memref<!tpu.dma_semaphore, #tpu.memory_space<semaphore_mem>>) src(%arg12 : memref<64x128xf32, #tpu.memory_space<vmem>>) dst(%dma_wait3A_119 : memref<10112x128xf32, #tpu.memory_space<vmem_shared>>)
        tpu.yield
      }) : () -> ()
      %add3A_67 = arith.constant 2 : i32
      %add3A_68 = arith.addi %add3A_61, %add3A_67 : i32
      %lt3A = arith.cmpi slt, %add3A_68, %select_n3A : i32
      %convert_element_type3A = arith.extui %lt3A : i1 to i32
      %cond3A = arith.constant 0 : i32
      %cond3A_69 = arith.cmpi ne, %convert_element_type3A, %cond3A : i32
      scf.if %cond3A_69 {
        %add3A_108 = arith.constant 2 : i32
        %add3A_109 = arith.addi %add3A_61, %add3A_108 : i32
        %dma_start3A_110 = arith.constant 0 : i32
        %dma_start3A_111 = tpu.memref_slice %arg10[%add3A_109, %dma_start3A_110] : memref<216x64xi32, #tpu.memory_space<vmem>> -> memref<1x64xi32, #tpu.memory_space<vmem>>
        %dma_start3A_112 = tpu.memref_squeeze %dma_start3A_111 : memref<1x64xi32, #tpu.memory_space<vmem>> -> memref<64xi32, #tpu.memory_space<vmem>>
        %dma_start3A_113 = arith.constant 0 : i32
        %dma_start3A_114 = arith.constant 0 : i32
        %dma_start3A_115 = tpu.memref_slice %arg2[%dma_start3A_113, %dma_start3A_114] : memref<10000x128xf32, #tpu.memory_space<hbm>> -> memref<10000x128xf32, #tpu.memory_space<hbm>>
        tpu.enqueue_indirect_dma source(%dma_start3A_115 : memref<10000x128xf32, #tpu.memory_space<hbm>>) target(%arg12 : memref<64x128xf32, #tpu.memory_space<vmem>>) offsets(%dma_start3A_112 : memref<64xi32, #tpu.memory_space<vmem>>) semaphore(%arg18 : memref<!tpu.dma_semaphore, #tpu.memory_space<semaphore_mem>>)
      } else {
      }
      %dma_wait3A_70 = arith.constant 0 : i32
      %dma_wait3A_71 = tpu.memref_slice %arg10[%add3A_61, %dma_wait3A_70] : memref<216x64xi32, #tpu.memory_space<vmem>> -> memref<1x64xi32, #tpu.memory_space<vmem>>
      %dma_wait3A_72 = tpu.memref_squeeze %dma_wait3A_71 : memref<1x64xi32, #tpu.memory_space<vmem>> -> memref<64xi32, #tpu.memory_space<vmem>>
      %dma_wait3A_73 = arith.constant 0 : i32
      %dma_wait3A_74 = arith.constant 0 : i32
      %dma_wait3A_75 = tpu.memref_slice %arg3[%dma_wait3A_73, %dma_wait3A_74] : memref<10000x8xf32, #tpu.memory_space<hbm>> -> memref<10000x8xf32, #tpu.memory_space<hbm>>
      tpu.wait_indirect_dma semaphore(%arg20 : memref<!tpu.dma_semaphore, #tpu.memory_space<semaphore_mem>>) src(%dma_wait3A_75 : memref<10000x8xf32, #tpu.memory_space<hbm>>) dst(%arg14 : memref<64x8xf32, #tpu.memory_space<vmem>>)
      "tpu.region"() ({
        %run_scoped3A = tpu.sem_alloc : memref<!tpu.dma_semaphore, #tpu.memory_space<semaphore_mem>>
        %dma_start3A_108 = arith.constant 0 : i32
        %dma_start3A_109 = tpu.memref_slice %arg11[%add3A_61, %dma_start3A_108] : memref<216x64xi32, #tpu.memory_space<vmem>> -> memref<1x64xi32, #tpu.memory_space<vmem>>
        %dma_start3A_110 = tpu.memref_squeeze %dma_start3A_109 : memref<1x64xi32, #tpu.memory_space<vmem>> -> memref<64xi32, #tpu.memory_space<vmem>>
        %dma_start3A_111 = arith.constant 0 : i32
        %dma_start3A_112 = arith.constant 0 : i32
        %dma_start3A_113 = tpu.memref_slice %arg17[%dma_start3A_111, %dma_start3A_112] : memref<10112x8xf32, #tpu.memory_space<vmem_shared>> -> memref<10112x8xf32, #tpu.memory_space<vmem_shared>>
        tpu.enqueue_indirect_dma source(%arg14 : memref<64x8xf32, #tpu.memory_space<vmem>>) target(%dma_start3A_113 : memref<10112x8xf32, #tpu.memory_space<vmem_shared>>) offsets(%dma_start3A_110 : memref<64xi32, #tpu.memory_space<vmem>>) semaphore(%run_scoped3A : memref<!tpu.dma_semaphore, #tpu.memory_space<semaphore_mem>>) {add = true}
        %dma_wait3A_114 = arith.constant 0 : i32
        %dma_wait3A_115 = tpu.memref_slice %arg11[%add3A_61, %dma_wait3A_114] : memref<216x64xi32, #tpu.memory_space<vmem>> -> memref<1x64xi32, #tpu.memory_space<vmem>>
        %dma_wait3A_116 = tpu.memref_squeeze %dma_wait3A_115 : memref<1x64xi32, #tpu.memory_space<vmem>> -> memref<64xi32, #tpu.memory_space<vmem>>
        %dma_wait3A_117 = arith.constant 0 : i32
        %dma_wait3A_118 = arith.constant 0 : i32
        %dma_wait3A_119 = tpu.memref_slice %arg17[%dma_wait3A_117, %dma_wait3A_118] : memref<10112x8xf32, #tpu.memory_space<vmem_shared>> -> memref<10112x8xf32, #tpu.memory_space<vmem_shared>>
        tpu.wait_indirect_dma semaphore(%run_scoped3A : memref<!tpu.dma_semaphore, #tpu.memory_space<semaphore_mem>>) src(%arg14 : memref<64x8xf32, #tpu.memory_space<vmem>>) dst(%dma_wait3A_119 : memref<10112x8xf32, #tpu.memory_space<vmem_shared>>)
        tpu.yield
      }) : () -> ()
      %add3A_76 = arith.constant 2 : i32
      %add3A_77 = arith.addi %add3A_61, %add3A_76 : i32
      %lt3A_78 = arith.cmpi slt, %add3A_77, %select_n3A : i32
      %convert_element_type3A_79 = arith.extui %lt3A_78 : i1 to i32
      %cond3A_80 = arith.constant 0 : i32
      %cond3A_81 = arith.cmpi ne, %convert_element_type3A_79, %cond3A_80 : i32
      scf.if %cond3A_81 {
        %add3A_108 = arith.constant 2 : i32
        %add3A_109 = arith.addi %add3A_61, %add3A_108 : i32
        %dma_start3A_110 = arith.constant 0 : i32
        %dma_start3A_111 = tpu.memref_slice %arg10[%add3A_109, %dma_start3A_110] : memref<216x64xi32, #tpu.memory_space<vmem>> -> memref<1x64xi32, #tpu.memory_space<vmem>>
        %dma_start3A_112 = tpu.memref_squeeze %dma_start3A_111 : memref<1x64xi32, #tpu.memory_space<vmem>> -> memref<64xi32, #tpu.memory_space<vmem>>
        %dma_start3A_113 = arith.constant 0 : i32
        %dma_start3A_114 = arith.constant 0 : i32
        %dma_start3A_115 = tpu.memref_slice %arg3[%dma_start3A_113, %dma_start3A_114] : memref<10000x8xf32, #tpu.memory_space<hbm>> -> memref<10000x8xf32, #tpu.memory_space<hbm>>
        tpu.enqueue_indirect_dma source(%dma_start3A_115 : memref<10000x8xf32, #tpu.memory_space<hbm>>) target(%arg14 : memref<64x8xf32, #tpu.memory_space<vmem>>) offsets(%dma_start3A_112 : memref<64xi32, #tpu.memory_space<vmem>>) semaphore(%arg20 : memref<!tpu.dma_semaphore, #tpu.memory_space<semaphore_mem>>)
      } else {
      }
      %add3A_82 = arith.constant 1 : i32
      %add3A_83 = arith.addi %mul3A_60, %add3A_82 : i32
      %dma_wait3A_84 = arith.constant 0 : i32
      %dma_wait3A_85 = tpu.memref_slice %arg10[%add3A_83, %dma_wait3A_84] : memref<216x64xi32, #tpu.memory_space<vmem>> -> memref<1x64xi32, #tpu.memory_space<vmem>>
      %dma_wait3A_86 = tpu.memref_squeeze %dma_wait3A_85 : memref<1x64xi32, #tpu.memory_space<vmem>> -> memref<64xi32, #tpu.memory_space<vmem>>
      %dma_wait3A_87 = arith.constant 0 : i32
      %dma_wait3A_88 = arith.constant 0 : i32
      %dma_wait3A_89 = tpu.memref_slice %arg2[%dma_wait3A_87, %dma_wait3A_88] : memref<10000x128xf32, #tpu.memory_space<hbm>> -> memref<10000x128xf32, #tpu.memory_space<hbm>>
      tpu.wait_indirect_dma semaphore(%arg19 : memref<!tpu.dma_semaphore, #tpu.memory_space<semaphore_mem>>) src(%dma_wait3A_89 : memref<10000x128xf32, #tpu.memory_space<hbm>>) dst(%arg13 : memref<64x128xf32, #tpu.memory_space<vmem>>)
      "tpu.region"() ({
        %run_scoped3A = tpu.sem_alloc : memref<!tpu.dma_semaphore, #tpu.memory_space<semaphore_mem>>
        %dma_start3A_108 = arith.constant 0 : i32
        %dma_start3A_109 = tpu.memref_slice %arg11[%add3A_83, %dma_start3A_108] : memref<216x64xi32, #tpu.memory_space<vmem>> -> memref<1x64xi32, #tpu.memory_space<vmem>>
        %dma_start3A_110 = tpu.memref_squeeze %dma_start3A_109 : memref<1x64xi32, #tpu.memory_space<vmem>> -> memref<64xi32, #tpu.memory_space<vmem>>
        %dma_start3A_111 = arith.constant 0 : i32
        %dma_start3A_112 = arith.constant 0 : i32
        %dma_start3A_113 = tpu.memref_slice %arg16[%dma_start3A_111, %dma_start3A_112] : memref<10112x128xf32, #tpu.memory_space<vmem_shared>> -> memref<10112x128xf32, #tpu.memory_space<vmem_shared>>
        tpu.enqueue_indirect_dma source(%arg13 : memref<64x128xf32, #tpu.memory_space<vmem>>) target(%dma_start3A_113 : memref<10112x128xf32, #tpu.memory_space<vmem_shared>>) offsets(%dma_start3A_110 : memref<64xi32, #tpu.memory_space<vmem>>) semaphore(%run_scoped3A : memref<!tpu.dma_semaphore, #tpu.memory_space<semaphore_mem>>) {add = true}
        %dma_wait3A_114 = arith.constant 0 : i32
        %dma_wait3A_115 = tpu.memref_slice %arg11[%add3A_83, %dma_wait3A_114] : memref<216x64xi32, #tpu.memory_space<vmem>> -> memref<1x64xi32, #tpu.memory_space<vmem>>
        %dma_wait3A_116 = tpu.memref_squeeze %dma_wait3A_115 : memref<1x64xi32, #tpu.memory_space<vmem>> -> memref<64xi32, #tpu.memory_space<vmem>>
        %dma_wait3A_117 = arith.constant 0 : i32
        %dma_wait3A_118 = arith.constant 0 : i32
        %dma_wait3A_119 = tpu.memref_slice %arg16[%dma_wait3A_117, %dma_wait3A_118] : memref<10112x128xf32, #tpu.memory_space<vmem_shared>> -> memref<10112x128xf32, #tpu.memory_space<vmem_shared>>
        tpu.wait_indirect_dma semaphore(%run_scoped3A : memref<!tpu.dma_semaphore, #tpu.memory_space<semaphore_mem>>) src(%arg13 : memref<64x128xf32, #tpu.memory_space<vmem>>) dst(%dma_wait3A_119 : memref<10112x128xf32, #tpu.memory_space<vmem_shared>>)
        tpu.yield
      }) : () -> ()
      %add3A_90 = arith.constant 2 : i32
      %add3A_91 = arith.addi %add3A_83, %add3A_90 : i32
      %lt3A_92 = arith.cmpi slt, %add3A_91, %select_n3A : i32
      %convert_element_type3A_93 = arith.extui %lt3A_92 : i1 to i32
      %cond3A_94 = arith.constant 0 : i32
      %cond3A_95 = arith.cmpi ne, %convert_element_type3A_93, %cond3A_94 : i32
      scf.if %cond3A_95 {
        %add3A_108 = arith.constant 2 : i32
        %add3A_109 = arith.addi %add3A_83, %add3A_108 : i32
        %dma_start3A_110 = arith.constant 0 : i32
        %dma_start3A_111 = tpu.memref_slice %arg10[%add3A_109, %dma_start3A_110] : memref<216x64xi32, #tpu.memory_space<vmem>> -> memref<1x64xi32, #tpu.memory_space<vmem>>
        %dma_start3A_112 = tpu.memref_squeeze %dma_start3A_111 : memref<1x64xi32, #tpu.memory_space<vmem>> -> memref<64xi32, #tpu.memory_space<vmem>>
        %dma_start3A_113 = arith.constant 0 : i32
        %dma_start3A_114 = arith.constant 0 : i32
        %dma_start3A_115 = tpu.memref_slice %arg2[%dma_start3A_113, %dma_start3A_114] : memref<10000x128xf32, #tpu.memory_space<hbm>> -> memref<10000x128xf32, #tpu.memory_space<hbm>>
        tpu.enqueue_indirect_dma source(%dma_start3A_115 : memref<10000x128xf32, #tpu.memory_space<hbm>>) target(%arg13 : memref<64x128xf32, #tpu.memory_space<vmem>>) offsets(%dma_start3A_112 : memref<64xi32, #tpu.memory_space<vmem>>) semaphore(%arg19 : memref<!tpu.dma_semaphore, #tpu.memory_space<semaphore_mem>>)
      } else {
      }
      %dma_wait3A_96 = arith.constant 0 : i32
      %dma_wait3A_97 = tpu.memref_slice %arg10[%add3A_83, %dma_wait3A_96] : memref<216x64xi32, #tpu.memory_space<vmem>> -> memref<1x64xi32, #tpu.memory_space<vmem>>
      %dma_wait3A_98 = tpu.memref_squeeze %dma_wait3A_97 : memref<1x64xi32, #tpu.memory_space<vmem>> -> memref<64xi32, #tpu.memory_space<vmem>>
      %dma_wait3A_99 = arith.constant 0 : i32
      %dma_wait3A_100 = arith.constant 0 : i32
      %dma_wait3A_101 = tpu.memref_slice %arg3[%dma_wait3A_99, %dma_wait3A_100] : memref<10000x8xf32, #tpu.memory_space<hbm>> -> memref<10000x8xf32, #tpu.memory_space<hbm>>
      tpu.wait_indirect_dma semaphore(%arg21 : memref<!tpu.dma_semaphore, #tpu.memory_space<semaphore_mem>>) src(%dma_wait3A_101 : memref<10000x8xf32, #tpu.memory_space<hbm>>) dst(%arg15 : memref<64x8xf32, #tpu.memory_space<vmem>>)
      "tpu.region"() ({
        %run_scoped3A = tpu.sem_alloc : memref<!tpu.dma_semaphore, #tpu.memory_space<semaphore_mem>>
        %dma_start3A_108 = arith.constant 0 : i32
        %dma_start3A_109 = tpu.memref_slice %arg11[%add3A_83, %dma_start3A_108] : memref<216x64xi32, #tpu.memory_space<vmem>> -> memref<1x64xi32, #tpu.memory_space<vmem>>
        %dma_start3A_110 = tpu.memref_squeeze %dma_start3A_109 : memref<1x64xi32, #tpu.memory_space<vmem>> -> memref<64xi32, #tpu.memory_space<vmem>>
        %dma_start3A_111 = arith.constant 0 : i32
        %dma_start3A_112 = arith.constant 0 : i32
        %dma_start3A_113 = tpu.memref_slice %arg17[%dma_start3A_111, %dma_start3A_112] : memref<10112x8xf32, #tpu.memory_space<vmem_shared>> -> memref<10112x8xf32, #tpu.memory_space<vmem_shared>>
        tpu.enqueue_indirect_dma source(%arg15 : memref<64x8xf32, #tpu.memory_space<vmem>>) target(%dma_start3A_113 : memref<10112x8xf32, #tpu.memory_space<vmem_shared>>) offsets(%dma_start3A_110 : memref<64xi32, #tpu.memory_space<vmem>>) semaphore(%run_scoped3A : memref<!tpu.dma_semaphore, #tpu.memory_space<semaphore_mem>>) {add = true}
        %dma_wait3A_114 = arith.constant 0 : i32
        %dma_wait3A_115 = tpu.memref_slice %arg11[%add3A_83, %dma_wait3A_114] : memref<216x64xi32, #tpu.memory_space<vmem>> -> memref<1x64xi32, #tpu.memory_space<vmem>>
        %dma_wait3A_116 = tpu.memref_squeeze %dma_wait3A_115 : memref<1x64xi32, #tpu.memory_space<vmem>> -> memref<64xi32, #tpu.memory_space<vmem>>
        %dma_wait3A_117 = arith.constant 0 : i32
        %dma_wait3A_118 = arith.constant 0 : i32
        %dma_wait3A_119 = tpu.memref_slice %arg17[%dma_wait3A_117, %dma_wait3A_118] : memref<10112x8xf32, #tpu.memory_space<vmem_shared>> -> memref<10112x8xf32, #tpu.memory_space<vmem_shared>>
        tpu.wait_indirect_dma semaphore(%run_scoped3A : memref<!tpu.dma_semaphore, #tpu.memory_space<semaphore_mem>>) src(%arg15 : memref<64x8xf32, #tpu.memory_space<vmem>>) dst(%dma_wait3A_119 : memref<10112x8xf32, #tpu.memory_space<vmem_shared>>)
        tpu.yield
      }) : () -> ()
      %add3A_102 = arith.constant 2 : i32
      %add3A_103 = arith.addi %add3A_83, %add3A_102 : i32
      %lt3A_104 = arith.cmpi slt, %add3A_103, %select_n3A : i32
      %convert_element_type3A_105 = arith.extui %lt3A_104 : i1 to i32
      %cond3A_106 = arith.constant 0 : i32
      %cond3A_107 = arith.cmpi ne, %convert_element_type3A_105, %cond3A_106 : i32
      scf.if %cond3A_107 {
        %add3A_108 = arith.constant 2 : i32
        %add3A_109 = arith.addi %add3A_83, %add3A_108 : i32
        %dma_start3A_110 = arith.constant 0 : i32
        %dma_start3A_111 = tpu.memref_slice %arg10[%add3A_109, %dma_start3A_110] : memref<216x64xi32, #tpu.memory_space<vmem>> -> memref<1x64xi32, #tpu.memory_space<vmem>>
        %dma_start3A_112 = tpu.memref_squeeze %dma_start3A_111 : memref<1x64xi32, #tpu.memory_space<vmem>> -> memref<64xi32, #tpu.memory_space<vmem>>
        %dma_start3A_113 = arith.constant 0 : i32
        %dma_start3A_114 = arith.constant 0 : i32
        %dma_start3A_115 = tpu.memref_slice %arg3[%dma_start3A_113, %dma_start3A_114] : memref<10000x8xf32, #tpu.memory_space<hbm>> -> memref<10000x8xf32, #tpu.memory_space<hbm>>
        tpu.enqueue_indirect_dma source(%dma_start3A_115 : memref<10000x8xf32, #tpu.memory_space<hbm>>) target(%arg15 : memref<64x8xf32, #tpu.memory_space<vmem>>) offsets(%dma_start3A_112 : memref<64xi32, #tpu.memory_space<vmem>>) semaphore(%arg21 : memref<!tpu.dma_semaphore, #tpu.memory_space<semaphore_mem>>)
      } else {
      }
    }
    %barrier3A_57 = arith.constant 0 : index
    tpu.barrier barrier_id(%barrier3A_57)
    "tpu.region"() ({
      %run_scoped3A = tpu.sem_alloc : memref<!tpu.dma_semaphore, #tpu.memory_space<semaphore_mem>>
      %dma_start3A_58 = arith.constant 0 : i32
      %dma_start3A_59 = tpu.memref_slice %arg8[%arg0, %mul3A_2, %dma_start3A_58] : memref<2x10112x128xf32, #tpu.memory_space<hbm>> -> memref<1x632x128xf32, #tpu.memory_space<hbm>>
      %dma_start3A_60 = tpu.memref_squeeze %dma_start3A_59 : memref<1x632x128xf32, #tpu.memory_space<hbm>> -> memref<632x128xf32, #tpu.memory_space<hbm>>
      %dma_start3A_61 = arith.constant 0 : i32
      %dma_start3A_62 = tpu.memref_slice %arg16[%mul3A_2, %dma_start3A_61] : memref<10112x128xf32, #tpu.memory_space<vmem_shared>> -> memref<632x128xf32, #tpu.memory_space<vmem_shared>>
      tpu.enqueue_dma source(%dma_start3A_62 : memref<632x128xf32, #tpu.memory_space<vmem_shared>>) target(%dma_start3A_60 : memref<632x128xf32, #tpu.memory_space<hbm>>) target_semaphore(%run_scoped3A : memref<!tpu.dma_semaphore, #tpu.memory_space<semaphore_mem>>)
      %dma_wait3A = arith.constant 0 : i32
      %dma_wait3A_63 = tpu.memref_slice %arg8[%arg0, %mul3A_2, %dma_wait3A] : memref<2x10112x128xf32, #tpu.memory_space<hbm>> -> memref<1x632x128xf32, #tpu.memory_space<hbm>>
      %dma_wait3A_64 = tpu.memref_squeeze %dma_wait3A_63 : memref<1x632x128xf32, #tpu.memory_space<hbm>> -> memref<632x128xf32, #tpu.memory_space<hbm>>
      %dma_wait3A_65 = arith.constant 0 : i32
      %dma_wait3A_66 = tpu.memref_slice %arg16[%mul3A_2, %dma_wait3A_65] : memref<10112x128xf32, #tpu.memory_space<vmem_shared>> -> memref<632x128xf32, #tpu.memory_space<vmem_shared>>
      tpu.wait_dma2 semaphore(%run_scoped3A : memref<!tpu.dma_semaphore, #tpu.memory_space<semaphore_mem>>) src(%dma_wait3A_66 : memref<632x128xf32, #tpu.memory_space<vmem_shared>>) dst(%dma_wait3A_64 : memref<632x128xf32, #tpu.memory_space<hbm>>)
      tpu.yield
    }) : () -> ()
    "tpu.region"() ({
      %run_scoped3A = tpu.sem_alloc : memref<!tpu.dma_semaphore, #tpu.memory_space<semaphore_mem>>
      %dma_start3A_58 = arith.constant 0 : i32
      %dma_start3A_59 = tpu.memref_slice %arg9[%arg0, %mul3A_2, %dma_start3A_58] : memref<2x10112x8xf32, #tpu.memory_space<hbm>> -> memref<1x632x8xf32, #tpu.memory_space<hbm>>
      %dma_start3A_60 = tpu.memref_squeeze %dma_start3A_59 : memref<1x632x8xf32, #tpu.memory_space<hbm>> -> memref<632x8xf32, #tpu.memory_space<hbm>>
      %dma_start3A_61 = arith.constant 0 : i32
      %dma_start3A_62 = tpu.memref_slice %arg17[%mul3A_2, %dma_start3A_61] : memref<10112x8xf32, #tpu.memory_space<vmem_shared>> -> memref<632x8xf32, #tpu.memory_space<vmem_shared>>
      tpu.enqueue_dma source(%dma_start3A_62 : memref<632x8xf32, #tpu.memory_space<vmem_shared>>) target(%dma_start3A_60 : memref<632x8xf32, #tpu.memory_space<hbm>>) target_semaphore(%run_scoped3A : memref<!tpu.dma_semaphore, #tpu.memory_space<semaphore_mem>>)
      %dma_wait3A = arith.constant 0 : i32
      %dma_wait3A_63 = tpu.memref_slice %arg9[%arg0, %mul3A_2, %dma_wait3A] : memref<2x10112x8xf32, #tpu.memory_space<hbm>> -> memref<1x632x8xf32, #tpu.memory_space<hbm>>
      %dma_wait3A_64 = tpu.memref_squeeze %dma_wait3A_63 : memref<1x632x8xf32, #tpu.memory_space<hbm>> -> memref<632x8xf32, #tpu.memory_space<hbm>>
      %dma_wait3A_65 = arith.constant 0 : i32
      %dma_wait3A_66 = tpu.memref_slice %arg17[%mul3A_2, %dma_wait3A_65] : memref<10112x8xf32, #tpu.memory_space<vmem_shared>> -> memref<632x8xf32, #tpu.memory_space<vmem_shared>>
      tpu.wait_dma2 semaphore(%run_scoped3A : memref<!tpu.dma_semaphore, #tpu.memory_space<semaphore_mem>>) src(%dma_wait3A_66 : memref<632x8xf32, #tpu.memory_space<vmem_shared>>) dst(%dma_wait3A_64 : memref<632x8xf32, #tpu.memory_space<hbm>>)
      tpu.yield
    }) : () -> ()
    return
  }
}

#map = affine_map<(d0, d1) -> (0, 0)>
#map1 = affine_map<(d0, d1) -> (0, 0, 0, 0)>
#map2 = affine_map<(d0, d1) -> (0, 0, 0)>
module attributes {stable_mosaic.version = 14 : i64} {
  func.func @agg(%arg0: i32, %arg1: i32, %arg2: memref<10000x64xf32, #tpu.memory_space<hbm>>, %arg3: memref<2x16x216x64xi32, #tpu.memory_space<hbm>>, %arg4: memref<2x16x216x64xi32, #tpu.memory_space<hbm>>, %arg5: memref<10112x64xf32, #tpu.memory_space<hbm>>, %arg6: memref<2x10112x64xf32, #tpu.memory_space<hbm>>, %arg7: memref<216x64xi32, #tpu.memory_space<vmem>>, %arg8: memref<216x64xi32, #tpu.memory_space<vmem>>, %arg9: memref<64x64xf32, #tpu.memory_space<vmem>>, %arg10: memref<64x64xf32, #tpu.memory_space<vmem>>, %arg11: memref<64x64xf32, #tpu.memory_space<vmem>>, %arg12: memref<64x64xf32, #tpu.memory_space<vmem>>, %arg13: memref<10112x64xf32, #tpu.memory_space<vmem_shared>>, %arg14: memref<!tpu.dma_semaphore, #tpu.memory_space<semaphore_mem>>, %arg15: memref<!tpu.dma_semaphore, #tpu.memory_space<semaphore_mem>>, %arg16: memref<!tpu.dma_semaphore, #tpu.memory_space<semaphore_mem>>, %arg17: memref<!tpu.dma_semaphore, #tpu.memory_space<semaphore_mem>>) attributes {dimension_semantics = [#tpu.dimension_semantics<core_parallel>, #tpu.dimension_semantics<subcore_parallel>], iteration_bounds = array<i64: 2, 16>, scalar_prefetch = 0 : i64, scratch_operands = 11 : i64, tpu.core_type = #tpu.core_type<sc_vector_subcore>, window_params = [{transform_indices = #map}, {transform_indices = #map1}, {transform_indices = #map1}, {transform_indices = #map}, {transform_indices = #map2}]} {
    %eq3A = arith.constant 0 : i32
    %eq3A_0 = arith.cmpi eq, %arg0, %eq3A : i32
    %jit3A = arith.constant 216 : i32
    %jit3A_1 = arith.constant 100 : i32
    %select_n3A = arith.select %eq3A_0, %jit3A, %jit3A_1 : i32
    "tpu.region"() ({
      %run_scoped3A = tpu.sem_alloc : memref<!tpu.dma_semaphore, #tpu.memory_space<semaphore_mem>>
      %dma_start3A_58 = arith.constant 0 : i32
      %dma_start3A_59 = arith.constant 0 : i32
      %dma_start3A_60 = tpu.memref_slice %arg3[%arg0, %arg1, %dma_start3A_58, %dma_start3A_59] : memref<2x16x216x64xi32, #tpu.memory_space<hbm>> -> memref<1x1x216x64xi32, #tpu.memory_space<hbm>>
      %dma_start3A_61 = tpu.memref_squeeze %dma_start3A_60 : memref<1x1x216x64xi32, #tpu.memory_space<hbm>> -> memref<216x64xi32, #tpu.memory_space<hbm>>
      %dma_start3A_62 = arith.constant 0 : i32
      %dma_start3A_63 = arith.constant 0 : i32
      %dma_start3A_64 = tpu.memref_slice %arg3[%arg0, %arg1, %dma_start3A_62, %dma_start3A_63] : memref<2x16x216x64xi32, #tpu.memory_space<hbm>> -> memref<1x1x216x64xi32, #tpu.memory_space<hbm>>
      %dma_start3A_65 = tpu.memref_squeeze %dma_start3A_64 : memref<1x1x216x64xi32, #tpu.memory_space<hbm>> -> memref<216x64xi32, #tpu.memory_space<hbm>>
      tpu.enqueue_dma source(%dma_start3A_65 : memref<216x64xi32, #tpu.memory_space<hbm>>) target(%arg7 : memref<216x64xi32, #tpu.memory_space<vmem>>) target_semaphore(%run_scoped3A : memref<!tpu.dma_semaphore, #tpu.memory_space<semaphore_mem>>)
      %dma_wait3A = arith.constant 0 : i32
      %dma_wait3A_66 = arith.constant 0 : i32
      %dma_wait3A_67 = tpu.memref_slice %arg3[%arg0, %arg1, %dma_wait3A, %dma_wait3A_66] : memref<2x16x216x64xi32, #tpu.memory_space<hbm>> -> memref<1x1x216x64xi32, #tpu.memory_space<hbm>>
      %dma_wait3A_68 = tpu.memref_squeeze %dma_wait3A_67 : memref<1x1x216x64xi32, #tpu.memory_space<hbm>> -> memref<216x64xi32, #tpu.memory_space<hbm>>
      %dma_wait3A_69 = arith.constant 0 : i32
      %dma_wait3A_70 = arith.constant 0 : i32
      %dma_wait3A_71 = tpu.memref_slice %arg3[%arg0, %arg1, %dma_wait3A_69, %dma_wait3A_70] : memref<2x16x216x64xi32, #tpu.memory_space<hbm>> -> memref<1x1x216x64xi32, #tpu.memory_space<hbm>>
      %dma_wait3A_72 = tpu.memref_squeeze %dma_wait3A_71 : memref<1x1x216x64xi32, #tpu.memory_space<hbm>> -> memref<216x64xi32, #tpu.memory_space<hbm>>
      tpu.wait_dma2 semaphore(%run_scoped3A : memref<!tpu.dma_semaphore, #tpu.memory_space<semaphore_mem>>) src(%dma_wait3A_72 : memref<216x64xi32, #tpu.memory_space<hbm>>) dst(%arg7 : memref<216x64xi32, #tpu.memory_space<vmem>>)
      tpu.yield
    }) : () -> ()
    "tpu.region"() ({
      %run_scoped3A = tpu.sem_alloc : memref<!tpu.dma_semaphore, #tpu.memory_space<semaphore_mem>>
      %dma_start3A_58 = arith.constant 0 : i32
      %dma_start3A_59 = arith.constant 0 : i32
      %dma_start3A_60 = tpu.memref_slice %arg4[%arg0, %arg1, %dma_start3A_58, %dma_start3A_59] : memref<2x16x216x64xi32, #tpu.memory_space<hbm>> -> memref<1x1x216x64xi32, #tpu.memory_space<hbm>>
      %dma_start3A_61 = tpu.memref_squeeze %dma_start3A_60 : memref<1x1x216x64xi32, #tpu.memory_space<hbm>> -> memref<216x64xi32, #tpu.memory_space<hbm>>
      %dma_start3A_62 = arith.constant 0 : i32
      %dma_start3A_63 = arith.constant 0 : i32
      %dma_start3A_64 = tpu.memref_slice %arg4[%arg0, %arg1, %dma_start3A_62, %dma_start3A_63] : memref<2x16x216x64xi32, #tpu.memory_space<hbm>> -> memref<1x1x216x64xi32, #tpu.memory_space<hbm>>
      %dma_start3A_65 = tpu.memref_squeeze %dma_start3A_64 : memref<1x1x216x64xi32, #tpu.memory_space<hbm>> -> memref<216x64xi32, #tpu.memory_space<hbm>>
      tpu.enqueue_dma source(%dma_start3A_65 : memref<216x64xi32, #tpu.memory_space<hbm>>) target(%arg8 : memref<216x64xi32, #tpu.memory_space<vmem>>) target_semaphore(%run_scoped3A : memref<!tpu.dma_semaphore, #tpu.memory_space<semaphore_mem>>)
      %dma_wait3A = arith.constant 0 : i32
      %dma_wait3A_66 = arith.constant 0 : i32
      %dma_wait3A_67 = tpu.memref_slice %arg4[%arg0, %arg1, %dma_wait3A, %dma_wait3A_66] : memref<2x16x216x64xi32, #tpu.memory_space<hbm>> -> memref<1x1x216x64xi32, #tpu.memory_space<hbm>>
      %dma_wait3A_68 = tpu.memref_squeeze %dma_wait3A_67 : memref<1x1x216x64xi32, #tpu.memory_space<hbm>> -> memref<216x64xi32, #tpu.memory_space<hbm>>
      %dma_wait3A_69 = arith.constant 0 : i32
      %dma_wait3A_70 = arith.constant 0 : i32
      %dma_wait3A_71 = tpu.memref_slice %arg4[%arg0, %arg1, %dma_wait3A_69, %dma_wait3A_70] : memref<2x16x216x64xi32, #tpu.memory_space<hbm>> -> memref<1x1x216x64xi32, #tpu.memory_space<hbm>>
      %dma_wait3A_72 = tpu.memref_squeeze %dma_wait3A_71 : memref<1x1x216x64xi32, #tpu.memory_space<hbm>> -> memref<216x64xi32, #tpu.memory_space<hbm>>
      tpu.wait_dma2 semaphore(%run_scoped3A : memref<!tpu.dma_semaphore, #tpu.memory_space<semaphore_mem>>) src(%dma_wait3A_72 : memref<216x64xi32, #tpu.memory_space<hbm>>) dst(%arg8 : memref<216x64xi32, #tpu.memory_space<vmem>>)
      tpu.yield
    }) : () -> ()
    %mul3A = arith.constant 632 : i32
    %mul3A_2 = arith.muli %arg1, %mul3A : i32
    "tpu.region"() ({
      %run_scoped3A = tpu.sem_alloc : memref<!tpu.dma_semaphore, #tpu.memory_space<semaphore_mem>>
      %dma_start3A_58 = arith.constant 0 : i32
      %dma_start3A_59 = tpu.memref_slice %arg13[%mul3A_2, %dma_start3A_58] : memref<10112x64xf32, #tpu.memory_space<vmem_shared>> -> memref<632x64xf32, #tpu.memory_space<vmem_shared>>
      %dma_start3A_60 = arith.constant 0 : i32
      %dma_start3A_61 = tpu.memref_slice %arg5[%mul3A_2, %dma_start3A_60] : memref<10112x64xf32, #tpu.memory_space<hbm>> -> memref<632x64xf32, #tpu.memory_space<hbm>>
      tpu.enqueue_dma source(%dma_start3A_61 : memref<632x64xf32, #tpu.memory_space<hbm>>) target(%dma_start3A_59 : memref<632x64xf32, #tpu.memory_space<vmem_shared>>) target_semaphore(%run_scoped3A : memref<!tpu.dma_semaphore, #tpu.memory_space<semaphore_mem>>)
      %dma_wait3A = arith.constant 0 : i32
      %dma_wait3A_62 = tpu.memref_slice %arg13[%mul3A_2, %dma_wait3A] : memref<10112x64xf32, #tpu.memory_space<vmem_shared>> -> memref<632x64xf32, #tpu.memory_space<vmem_shared>>
      %dma_wait3A_63 = arith.constant 0 : i32
      %dma_wait3A_64 = tpu.memref_slice %arg5[%mul3A_2, %dma_wait3A_63] : memref<10112x64xf32, #tpu.memory_space<hbm>> -> memref<632x64xf32, #tpu.memory_space<hbm>>
      tpu.wait_dma2 semaphore(%run_scoped3A : memref<!tpu.dma_semaphore, #tpu.memory_space<semaphore_mem>>) src(%dma_wait3A_64 : memref<632x64xf32, #tpu.memory_space<hbm>>) dst(%dma_wait3A_62 : memref<632x64xf32, #tpu.memory_space<vmem_shared>>)
      tpu.yield
    }) : () -> ()
    %barrier3A = arith.constant 0 : index
    tpu.barrier barrier_id(%barrier3A)
    %dma_start3A = arith.constant 0 : i32
    %dma_start3A_3 = arith.constant 0 : i32
    %dma_start3A_4 = tpu.memref_slice %arg7[%dma_start3A, %dma_start3A_3] : memref<216x64xi32, #tpu.memory_space<vmem>> -> memref<1x64xi32, #tpu.memory_space<vmem>>
    %dma_start3A_5 = tpu.memref_squeeze %dma_start3A_4 : memref<1x64xi32, #tpu.memory_space<vmem>> -> memref<64xi32, #tpu.memory_space<vmem>>
    %dma_start3A_6 = arith.constant 0 : i32
    %dma_start3A_7 = arith.constant 0 : i32
    %dma_start3A_8 = tpu.memref_slice %arg2[%dma_start3A_6, %dma_start3A_7] : memref<10000x64xf32, #tpu.memory_space<hbm>> -> memref<10000x64xf32, #tpu.memory_space<hbm>>
    tpu.enqueue_indirect_dma source(%dma_start3A_8 : memref<10000x64xf32, #tpu.memory_space<hbm>>) target(%arg9 : memref<64x64xf32, #tpu.memory_space<vmem>>) offsets(%dma_start3A_5 : memref<64xi32, #tpu.memory_space<vmem>>) semaphore(%arg14 : memref<!tpu.dma_semaphore, #tpu.memory_space<semaphore_mem>>)
    %dma_start3A_9 = arith.constant 1 : i32
    %dma_start3A_10 = arith.constant 0 : i32
    %dma_start3A_11 = tpu.memref_slice %arg7[%dma_start3A_9, %dma_start3A_10] : memref<216x64xi32, #tpu.memory_space<vmem>> -> memref<1x64xi32, #tpu.memory_space<vmem>>
    %dma_start3A_12 = tpu.memref_squeeze %dma_start3A_11 : memref<1x64xi32, #tpu.memory_space<vmem>> -> memref<64xi32, #tpu.memory_space<vmem>>
    %dma_start3A_13 = arith.constant 0 : i32
    %dma_start3A_14 = arith.constant 0 : i32
    %dma_start3A_15 = tpu.memref_slice %arg2[%dma_start3A_13, %dma_start3A_14] : memref<10000x64xf32, #tpu.memory_space<hbm>> -> memref<10000x64xf32, #tpu.memory_space<hbm>>
    tpu.enqueue_indirect_dma source(%dma_start3A_15 : memref<10000x64xf32, #tpu.memory_space<hbm>>) target(%arg10 : memref<64x64xf32, #tpu.memory_space<vmem>>) offsets(%dma_start3A_12 : memref<64xi32, #tpu.memory_space<vmem>>) semaphore(%arg15 : memref<!tpu.dma_semaphore, #tpu.memory_space<semaphore_mem>>)
    %dma_start3A_16 = arith.constant 2 : i32
    %dma_start3A_17 = arith.constant 0 : i32
    %dma_start3A_18 = tpu.memref_slice %arg7[%dma_start3A_16, %dma_start3A_17] : memref<216x64xi32, #tpu.memory_space<vmem>> -> memref<1x64xi32, #tpu.memory_space<vmem>>
    %dma_start3A_19 = tpu.memref_squeeze %dma_start3A_18 : memref<1x64xi32, #tpu.memory_space<vmem>> -> memref<64xi32, #tpu.memory_space<vmem>>
    %dma_start3A_20 = arith.constant 0 : i32
    %dma_start3A_21 = arith.constant 0 : i32
    %dma_start3A_22 = tpu.memref_slice %arg2[%dma_start3A_20, %dma_start3A_21] : memref<10000x64xf32, #tpu.memory_space<hbm>> -> memref<10000x64xf32, #tpu.memory_space<hbm>>
    tpu.enqueue_indirect_dma source(%dma_start3A_22 : memref<10000x64xf32, #tpu.memory_space<hbm>>) target(%arg11 : memref<64x64xf32, #tpu.memory_space<vmem>>) offsets(%dma_start3A_19 : memref<64xi32, #tpu.memory_space<vmem>>) semaphore(%arg16 : memref<!tpu.dma_semaphore, #tpu.memory_space<semaphore_mem>>)
    %dma_start3A_23 = arith.constant 3 : i32
    %dma_start3A_24 = arith.constant 0 : i32
    %dma_start3A_25 = tpu.memref_slice %arg7[%dma_start3A_23, %dma_start3A_24] : memref<216x64xi32, #tpu.memory_space<vmem>> -> memref<1x64xi32, #tpu.memory_space<vmem>>
    %dma_start3A_26 = tpu.memref_squeeze %dma_start3A_25 : memref<1x64xi32, #tpu.memory_space<vmem>> -> memref<64xi32, #tpu.memory_space<vmem>>
    %dma_start3A_27 = arith.constant 0 : i32
    %dma_start3A_28 = arith.constant 0 : i32
    %dma_start3A_29 = tpu.memref_slice %arg2[%dma_start3A_27, %dma_start3A_28] : memref<10000x64xf32, #tpu.memory_space<hbm>> -> memref<10000x64xf32, #tpu.memory_space<hbm>>
    tpu.enqueue_indirect_dma source(%dma_start3A_29 : memref<10000x64xf32, #tpu.memory_space<hbm>>) target(%arg12 : memref<64x64xf32, #tpu.memory_space<vmem>>) offsets(%dma_start3A_26 : memref<64xi32, #tpu.memory_space<vmem>>) semaphore(%arg17 : memref<!tpu.dma_semaphore, #tpu.memory_space<semaphore_mem>>)
    %jit3A_30 = arith.constant 4 : i32
    %div3A = arith.divsi %select_n3A, %jit3A_30 : i32
    %sign3A = arith.constant 0 : i32
    %sign3A_31 = arith.cmpi sgt, %select_n3A, %sign3A : i32
    %sign3A_32 = arith.extui %sign3A_31 : i1 to i32
    %sign3A_33 = arith.constant 0 : i32
    %sign3A_34 = arith.cmpi slt, %select_n3A, %sign3A_33 : i32
    %sign3A_35 = arith.extui %sign3A_34 : i1 to i32
    %sign3A_36 = arith.subi %sign3A_32, %sign3A_35 : i32
    %sign3A_37 = arith.constant 0 : i32
    %sign3A_38 = arith.cmpi sgt, %jit3A_30, %sign3A_37 : i32
    %sign3A_39 = arith.extui %sign3A_38 : i1 to i32
    %sign3A_40 = arith.constant 0 : i32
    %sign3A_41 = arith.cmpi slt, %jit3A_30, %sign3A_40 : i32
    %sign3A_42 = arith.extui %sign3A_41 : i1 to i32
    %sign3A_43 = arith.subi %sign3A_39, %sign3A_42 : i32
    %ne3A = arith.cmpi ne, %sign3A_36, %sign3A_43 : i32
    %rem3A = arith.remsi %select_n3A, %jit3A_30 : i32
    %ne3A_44 = arith.constant 0 : i32
    %ne3A_45 = arith.cmpi ne, %rem3A, %ne3A_44 : i32
    %and3A = arith.andi %ne3A, %ne3A_45 : i1
    %sub3A = arith.constant 1 : i32
    %sub3A_46 = arith.subi %div3A, %sub3A : i32
    %select_n3A_47 = arith.select %and3A, %sub3A_46, %div3A : i32
    %while3A = arith.constant 0 : i32
    %while3A_48 = arith.constant 0 : i32
    %while3A_49 = arith.subi %select_n3A_47, %while3A_48 : i32
    %while3A_50 = arith.addi %while3A_48, %while3A_49 : i32
    %while3A_51 = arith.constant 1 : i32
    %while3A_52 = arith.divsi %while3A_49, %while3A_51 : i32
    %while3A_53 = arith.muli %while3A_52, %while3A_51 : i32
    %while3A_54 = arith.addi %while3A_48, %while3A_53 : i32
    %while3A_55 = arith.constant 1 : i32
    scf.for %while3A_58 = %while3A_48 to %while3A_54 step %while3A_55  : i32 {
      %mul3A_59 = arith.constant 4 : i32
      %mul3A_60 = arith.muli %while3A_58, %mul3A_59 : i32
      %add3A = arith.constant 0 : i32
      %add3A_61 = arith.addi %mul3A_60, %add3A : i32
      %dma_wait3A = arith.constant 0 : i32
      %dma_wait3A_62 = tpu.memref_slice %arg7[%add3A_61, %dma_wait3A] : memref<216x64xi32, #tpu.memory_space<vmem>> -> memref<1x64xi32, #tpu.memory_space<vmem>>
      %dma_wait3A_63 = tpu.memref_squeeze %dma_wait3A_62 : memref<1x64xi32, #tpu.memory_space<vmem>> -> memref<64xi32, #tpu.memory_space<vmem>>
      %dma_wait3A_64 = arith.constant 0 : i32
      %dma_wait3A_65 = arith.constant 0 : i32
      %dma_wait3A_66 = tpu.memref_slice %arg2[%dma_wait3A_64, %dma_wait3A_65] : memref<10000x64xf32, #tpu.memory_space<hbm>> -> memref<10000x64xf32, #tpu.memory_space<hbm>>
      tpu.wait_indirect_dma semaphore(%arg14 : memref<!tpu.dma_semaphore, #tpu.memory_space<semaphore_mem>>) src(%dma_wait3A_66 : memref<10000x64xf32, #tpu.memory_space<hbm>>) dst(%arg9 : memref<64x64xf32, #tpu.memory_space<vmem>>)
      "tpu.region"() ({
        %run_scoped3A = tpu.sem_alloc : memref<!tpu.dma_semaphore, #tpu.memory_space<semaphore_mem>>
        %dma_start3A_112 = arith.constant 0 : i32
        %dma_start3A_113 = tpu.memref_slice %arg8[%add3A_61, %dma_start3A_112] : memref<216x64xi32, #tpu.memory_space<vmem>> -> memref<1x64xi32, #tpu.memory_space<vmem>>
        %dma_start3A_114 = tpu.memref_squeeze %dma_start3A_113 : memref<1x64xi32, #tpu.memory_space<vmem>> -> memref<64xi32, #tpu.memory_space<vmem>>
        %dma_start3A_115 = arith.constant 0 : i32
        %dma_start3A_116 = arith.constant 0 : i32
        %dma_start3A_117 = tpu.memref_slice %arg13[%dma_start3A_115, %dma_start3A_116] : memref<10112x64xf32, #tpu.memory_space<vmem_shared>> -> memref<10112x64xf32, #tpu.memory_space<vmem_shared>>
        tpu.enqueue_indirect_dma source(%arg9 : memref<64x64xf32, #tpu.memory_space<vmem>>) target(%dma_start3A_117 : memref<10112x64xf32, #tpu.memory_space<vmem_shared>>) offsets(%dma_start3A_114 : memref<64xi32, #tpu.memory_space<vmem>>) semaphore(%run_scoped3A : memref<!tpu.dma_semaphore, #tpu.memory_space<semaphore_mem>>) {add = true}
        %dma_wait3A_118 = arith.constant 0 : i32
        %dma_wait3A_119 = tpu.memref_slice %arg8[%add3A_61, %dma_wait3A_118] : memref<216x64xi32, #tpu.memory_space<vmem>> -> memref<1x64xi32, #tpu.memory_space<vmem>>
        %dma_wait3A_120 = tpu.memref_squeeze %dma_wait3A_119 : memref<1x64xi32, #tpu.memory_space<vmem>> -> memref<64xi32, #tpu.memory_space<vmem>>
        %dma_wait3A_121 = arith.constant 0 : i32
        %dma_wait3A_122 = arith.constant 0 : i32
        %dma_wait3A_123 = tpu.memref_slice %arg13[%dma_wait3A_121, %dma_wait3A_122] : memref<10112x64xf32, #tpu.memory_space<vmem_shared>> -> memref<10112x64xf32, #tpu.memory_space<vmem_shared>>
        tpu.wait_indirect_dma semaphore(%run_scoped3A : memref<!tpu.dma_semaphore, #tpu.memory_space<semaphore_mem>>) src(%arg9 : memref<64x64xf32, #tpu.memory_space<vmem>>) dst(%dma_wait3A_123 : memref<10112x64xf32, #tpu.memory_space<vmem_shared>>)
        tpu.yield
      }) : () -> ()
      %add3A_67 = arith.constant 4 : i32
      %add3A_68 = arith.addi %add3A_61, %add3A_67 : i32
      %lt3A = arith.cmpi slt, %add3A_68, %select_n3A : i32
      %convert_element_type3A = arith.extui %lt3A : i1 to i32
      %cond3A = arith.constant 0 : i32
      %cond3A_69 = arith.cmpi ne, %convert_element_type3A, %cond3A : i32
      scf.if %cond3A_69 {
        %add3A_112 = arith.constant 4 : i32
        %add3A_113 = arith.addi %add3A_61, %add3A_112 : i32
        %dma_start3A_114 = arith.constant 0 : i32
        %dma_start3A_115 = tpu.memref_slice %arg7[%add3A_113, %dma_start3A_114] : memref<216x64xi32, #tpu.memory_space<vmem>> -> memref<1x64xi32, #tpu.memory_space<vmem>>
        %dma_start3A_116 = tpu.memref_squeeze %dma_start3A_115 : memref<1x64xi32, #tpu.memory_space<vmem>> -> memref<64xi32, #tpu.memory_space<vmem>>
        %dma_start3A_117 = arith.constant 0 : i32
        %dma_start3A_118 = arith.constant 0 : i32
        %dma_start3A_119 = tpu.memref_slice %arg2[%dma_start3A_117, %dma_start3A_118] : memref<10000x64xf32, #tpu.memory_space<hbm>> -> memref<10000x64xf32, #tpu.memory_space<hbm>>
        tpu.enqueue_indirect_dma source(%dma_start3A_119 : memref<10000x64xf32, #tpu.memory_space<hbm>>) target(%arg9 : memref<64x64xf32, #tpu.memory_space<vmem>>) offsets(%dma_start3A_116 : memref<64xi32, #tpu.memory_space<vmem>>) semaphore(%arg14 : memref<!tpu.dma_semaphore, #tpu.memory_space<semaphore_mem>>)
      } else {
      }
      %add3A_70 = arith.constant 1 : i32
      %add3A_71 = arith.addi %mul3A_60, %add3A_70 : i32
      %dma_wait3A_72 = arith.constant 0 : i32
      %dma_wait3A_73 = tpu.memref_slice %arg7[%add3A_71, %dma_wait3A_72] : memref<216x64xi32, #tpu.memory_space<vmem>> -> memref<1x64xi32, #tpu.memory_space<vmem>>
      %dma_wait3A_74 = tpu.memref_squeeze %dma_wait3A_73 : memref<1x64xi32, #tpu.memory_space<vmem>> -> memref<64xi32, #tpu.memory_space<vmem>>
      %dma_wait3A_75 = arith.constant 0 : i32
      %dma_wait3A_76 = arith.constant 0 : i32
      %dma_wait3A_77 = tpu.memref_slice %arg2[%dma_wait3A_75, %dma_wait3A_76] : memref<10000x64xf32, #tpu.memory_space<hbm>> -> memref<10000x64xf32, #tpu.memory_space<hbm>>
      tpu.wait_indirect_dma semaphore(%arg15 : memref<!tpu.dma_semaphore, #tpu.memory_space<semaphore_mem>>) src(%dma_wait3A_77 : memref<10000x64xf32, #tpu.memory_space<hbm>>) dst(%arg10 : memref<64x64xf32, #tpu.memory_space<vmem>>)
      "tpu.region"() ({
        %run_scoped3A = tpu.sem_alloc : memref<!tpu.dma_semaphore, #tpu.memory_space<semaphore_mem>>
        %dma_start3A_112 = arith.constant 0 : i32
        %dma_start3A_113 = tpu.memref_slice %arg8[%add3A_71, %dma_start3A_112] : memref<216x64xi32, #tpu.memory_space<vmem>> -> memref<1x64xi32, #tpu.memory_space<vmem>>
        %dma_start3A_114 = tpu.memref_squeeze %dma_start3A_113 : memref<1x64xi32, #tpu.memory_space<vmem>> -> memref<64xi32, #tpu.memory_space<vmem>>
        %dma_start3A_115 = arith.constant 0 : i32
        %dma_start3A_116 = arith.constant 0 : i32
        %dma_start3A_117 = tpu.memref_slice %arg13[%dma_start3A_115, %dma_start3A_116] : memref<10112x64xf32, #tpu.memory_space<vmem_shared>> -> memref<10112x64xf32, #tpu.memory_space<vmem_shared>>
        tpu.enqueue_indirect_dma source(%arg10 : memref<64x64xf32, #tpu.memory_space<vmem>>) target(%dma_start3A_117 : memref<10112x64xf32, #tpu.memory_space<vmem_shared>>) offsets(%dma_start3A_114 : memref<64xi32, #tpu.memory_space<vmem>>) semaphore(%run_scoped3A : memref<!tpu.dma_semaphore, #tpu.memory_space<semaphore_mem>>) {add = true}
        %dma_wait3A_118 = arith.constant 0 : i32
        %dma_wait3A_119 = tpu.memref_slice %arg8[%add3A_71, %dma_wait3A_118] : memref<216x64xi32, #tpu.memory_space<vmem>> -> memref<1x64xi32, #tpu.memory_space<vmem>>
        %dma_wait3A_120 = tpu.memref_squeeze %dma_wait3A_119 : memref<1x64xi32, #tpu.memory_space<vmem>> -> memref<64xi32, #tpu.memory_space<vmem>>
        %dma_wait3A_121 = arith.constant 0 : i32
        %dma_wait3A_122 = arith.constant 0 : i32
        %dma_wait3A_123 = tpu.memref_slice %arg13[%dma_wait3A_121, %dma_wait3A_122] : memref<10112x64xf32, #tpu.memory_space<vmem_shared>> -> memref<10112x64xf32, #tpu.memory_space<vmem_shared>>
        tpu.wait_indirect_dma semaphore(%run_scoped3A : memref<!tpu.dma_semaphore, #tpu.memory_space<semaphore_mem>>) src(%arg10 : memref<64x64xf32, #tpu.memory_space<vmem>>) dst(%dma_wait3A_123 : memref<10112x64xf32, #tpu.memory_space<vmem_shared>>)
        tpu.yield
      }) : () -> ()
      %add3A_78 = arith.constant 4 : i32
      %add3A_79 = arith.addi %add3A_71, %add3A_78 : i32
      %lt3A_80 = arith.cmpi slt, %add3A_79, %select_n3A : i32
      %convert_element_type3A_81 = arith.extui %lt3A_80 : i1 to i32
      %cond3A_82 = arith.constant 0 : i32
      %cond3A_83 = arith.cmpi ne, %convert_element_type3A_81, %cond3A_82 : i32
      scf.if %cond3A_83 {
        %add3A_112 = arith.constant 4 : i32
        %add3A_113 = arith.addi %add3A_71, %add3A_112 : i32
        %dma_start3A_114 = arith.constant 0 : i32
        %dma_start3A_115 = tpu.memref_slice %arg7[%add3A_113, %dma_start3A_114] : memref<216x64xi32, #tpu.memory_space<vmem>> -> memref<1x64xi32, #tpu.memory_space<vmem>>
        %dma_start3A_116 = tpu.memref_squeeze %dma_start3A_115 : memref<1x64xi32, #tpu.memory_space<vmem>> -> memref<64xi32, #tpu.memory_space<vmem>>
        %dma_start3A_117 = arith.constant 0 : i32
        %dma_start3A_118 = arith.constant 0 : i32
        %dma_start3A_119 = tpu.memref_slice %arg2[%dma_start3A_117, %dma_start3A_118] : memref<10000x64xf32, #tpu.memory_space<hbm>> -> memref<10000x64xf32, #tpu.memory_space<hbm>>
        tpu.enqueue_indirect_dma source(%dma_start3A_119 : memref<10000x64xf32, #tpu.memory_space<hbm>>) target(%arg10 : memref<64x64xf32, #tpu.memory_space<vmem>>) offsets(%dma_start3A_116 : memref<64xi32, #tpu.memory_space<vmem>>) semaphore(%arg15 : memref<!tpu.dma_semaphore, #tpu.memory_space<semaphore_mem>>)
      } else {
      }
      %add3A_84 = arith.constant 2 : i32
      %add3A_85 = arith.addi %mul3A_60, %add3A_84 : i32
      %dma_wait3A_86 = arith.constant 0 : i32
      %dma_wait3A_87 = tpu.memref_slice %arg7[%add3A_85, %dma_wait3A_86] : memref<216x64xi32, #tpu.memory_space<vmem>> -> memref<1x64xi32, #tpu.memory_space<vmem>>
      %dma_wait3A_88 = tpu.memref_squeeze %dma_wait3A_87 : memref<1x64xi32, #tpu.memory_space<vmem>> -> memref<64xi32, #tpu.memory_space<vmem>>
      %dma_wait3A_89 = arith.constant 0 : i32
      %dma_wait3A_90 = arith.constant 0 : i32
      %dma_wait3A_91 = tpu.memref_slice %arg2[%dma_wait3A_89, %dma_wait3A_90] : memref<10000x64xf32, #tpu.memory_space<hbm>> -> memref<10000x64xf32, #tpu.memory_space<hbm>>
      tpu.wait_indirect_dma semaphore(%arg16 : memref<!tpu.dma_semaphore, #tpu.memory_space<semaphore_mem>>) src(%dma_wait3A_91 : memref<10000x64xf32, #tpu.memory_space<hbm>>) dst(%arg11 : memref<64x64xf32, #tpu.memory_space<vmem>>)
      "tpu.region"() ({
        %run_scoped3A = tpu.sem_alloc : memref<!tpu.dma_semaphore, #tpu.memory_space<semaphore_mem>>
        %dma_start3A_112 = arith.constant 0 : i32
        %dma_start3A_113 = tpu.memref_slice %arg8[%add3A_85, %dma_start3A_112] : memref<216x64xi32, #tpu.memory_space<vmem>> -> memref<1x64xi32, #tpu.memory_space<vmem>>
        %dma_start3A_114 = tpu.memref_squeeze %dma_start3A_113 : memref<1x64xi32, #tpu.memory_space<vmem>> -> memref<64xi32, #tpu.memory_space<vmem>>
        %dma_start3A_115 = arith.constant 0 : i32
        %dma_start3A_116 = arith.constant 0 : i32
        %dma_start3A_117 = tpu.memref_slice %arg13[%dma_start3A_115, %dma_start3A_116] : memref<10112x64xf32, #tpu.memory_space<vmem_shared>> -> memref<10112x64xf32, #tpu.memory_space<vmem_shared>>
        tpu.enqueue_indirect_dma source(%arg11 : memref<64x64xf32, #tpu.memory_space<vmem>>) target(%dma_start3A_117 : memref<10112x64xf32, #tpu.memory_space<vmem_shared>>) offsets(%dma_start3A_114 : memref<64xi32, #tpu.memory_space<vmem>>) semaphore(%run_scoped3A : memref<!tpu.dma_semaphore, #tpu.memory_space<semaphore_mem>>) {add = true}
        %dma_wait3A_118 = arith.constant 0 : i32
        %dma_wait3A_119 = tpu.memref_slice %arg8[%add3A_85, %dma_wait3A_118] : memref<216x64xi32, #tpu.memory_space<vmem>> -> memref<1x64xi32, #tpu.memory_space<vmem>>
        %dma_wait3A_120 = tpu.memref_squeeze %dma_wait3A_119 : memref<1x64xi32, #tpu.memory_space<vmem>> -> memref<64xi32, #tpu.memory_space<vmem>>
        %dma_wait3A_121 = arith.constant 0 : i32
        %dma_wait3A_122 = arith.constant 0 : i32
        %dma_wait3A_123 = tpu.memref_slice %arg13[%dma_wait3A_121, %dma_wait3A_122] : memref<10112x64xf32, #tpu.memory_space<vmem_shared>> -> memref<10112x64xf32, #tpu.memory_space<vmem_shared>>
        tpu.wait_indirect_dma semaphore(%run_scoped3A : memref<!tpu.dma_semaphore, #tpu.memory_space<semaphore_mem>>) src(%arg11 : memref<64x64xf32, #tpu.memory_space<vmem>>) dst(%dma_wait3A_123 : memref<10112x64xf32, #tpu.memory_space<vmem_shared>>)
        tpu.yield
      }) : () -> ()
      %add3A_92 = arith.constant 4 : i32
      %add3A_93 = arith.addi %add3A_85, %add3A_92 : i32
      %lt3A_94 = arith.cmpi slt, %add3A_93, %select_n3A : i32
      %convert_element_type3A_95 = arith.extui %lt3A_94 : i1 to i32
      %cond3A_96 = arith.constant 0 : i32
      %cond3A_97 = arith.cmpi ne, %convert_element_type3A_95, %cond3A_96 : i32
      scf.if %cond3A_97 {
        %add3A_112 = arith.constant 4 : i32
        %add3A_113 = arith.addi %add3A_85, %add3A_112 : i32
        %dma_start3A_114 = arith.constant 0 : i32
        %dma_start3A_115 = tpu.memref_slice %arg7[%add3A_113, %dma_start3A_114] : memref<216x64xi32, #tpu.memory_space<vmem>> -> memref<1x64xi32, #tpu.memory_space<vmem>>
        %dma_start3A_116 = tpu.memref_squeeze %dma_start3A_115 : memref<1x64xi32, #tpu.memory_space<vmem>> -> memref<64xi32, #tpu.memory_space<vmem>>
        %dma_start3A_117 = arith.constant 0 : i32
        %dma_start3A_118 = arith.constant 0 : i32
        %dma_start3A_119 = tpu.memref_slice %arg2[%dma_start3A_117, %dma_start3A_118] : memref<10000x64xf32, #tpu.memory_space<hbm>> -> memref<10000x64xf32, #tpu.memory_space<hbm>>
        tpu.enqueue_indirect_dma source(%dma_start3A_119 : memref<10000x64xf32, #tpu.memory_space<hbm>>) target(%arg11 : memref<64x64xf32, #tpu.memory_space<vmem>>) offsets(%dma_start3A_116 : memref<64xi32, #tpu.memory_space<vmem>>) semaphore(%arg16 : memref<!tpu.dma_semaphore, #tpu.memory_space<semaphore_mem>>)
      } else {
      }
      %add3A_98 = arith.constant 3 : i32
      %add3A_99 = arith.addi %mul3A_60, %add3A_98 : i32
      %dma_wait3A_100 = arith.constant 0 : i32
      %dma_wait3A_101 = tpu.memref_slice %arg7[%add3A_99, %dma_wait3A_100] : memref<216x64xi32, #tpu.memory_space<vmem>> -> memref<1x64xi32, #tpu.memory_space<vmem>>
      %dma_wait3A_102 = tpu.memref_squeeze %dma_wait3A_101 : memref<1x64xi32, #tpu.memory_space<vmem>> -> memref<64xi32, #tpu.memory_space<vmem>>
      %dma_wait3A_103 = arith.constant 0 : i32
      %dma_wait3A_104 = arith.constant 0 : i32
      %dma_wait3A_105 = tpu.memref_slice %arg2[%dma_wait3A_103, %dma_wait3A_104] : memref<10000x64xf32, #tpu.memory_space<hbm>> -> memref<10000x64xf32, #tpu.memory_space<hbm>>
      tpu.wait_indirect_dma semaphore(%arg17 : memref<!tpu.dma_semaphore, #tpu.memory_space<semaphore_mem>>) src(%dma_wait3A_105 : memref<10000x64xf32, #tpu.memory_space<hbm>>) dst(%arg12 : memref<64x64xf32, #tpu.memory_space<vmem>>)
      "tpu.region"() ({
        %run_scoped3A = tpu.sem_alloc : memref<!tpu.dma_semaphore, #tpu.memory_space<semaphore_mem>>
        %dma_start3A_112 = arith.constant 0 : i32
        %dma_start3A_113 = tpu.memref_slice %arg8[%add3A_99, %dma_start3A_112] : memref<216x64xi32, #tpu.memory_space<vmem>> -> memref<1x64xi32, #tpu.memory_space<vmem>>
        %dma_start3A_114 = tpu.memref_squeeze %dma_start3A_113 : memref<1x64xi32, #tpu.memory_space<vmem>> -> memref<64xi32, #tpu.memory_space<vmem>>
        %dma_start3A_115 = arith.constant 0 : i32
        %dma_start3A_116 = arith.constant 0 : i32
        %dma_start3A_117 = tpu.memref_slice %arg13[%dma_start3A_115, %dma_start3A_116] : memref<10112x64xf32, #tpu.memory_space<vmem_shared>> -> memref<10112x64xf32, #tpu.memory_space<vmem_shared>>
        tpu.enqueue_indirect_dma source(%arg12 : memref<64x64xf32, #tpu.memory_space<vmem>>) target(%dma_start3A_117 : memref<10112x64xf32, #tpu.memory_space<vmem_shared>>) offsets(%dma_start3A_114 : memref<64xi32, #tpu.memory_space<vmem>>) semaphore(%run_scoped3A : memref<!tpu.dma_semaphore, #tpu.memory_space<semaphore_mem>>) {add = true}
        %dma_wait3A_118 = arith.constant 0 : i32
        %dma_wait3A_119 = tpu.memref_slice %arg8[%add3A_99, %dma_wait3A_118] : memref<216x64xi32, #tpu.memory_space<vmem>> -> memref<1x64xi32, #tpu.memory_space<vmem>>
        %dma_wait3A_120 = tpu.memref_squeeze %dma_wait3A_119 : memref<1x64xi32, #tpu.memory_space<vmem>> -> memref<64xi32, #tpu.memory_space<vmem>>
        %dma_wait3A_121 = arith.constant 0 : i32
        %dma_wait3A_122 = arith.constant 0 : i32
        %dma_wait3A_123 = tpu.memref_slice %arg13[%dma_wait3A_121, %dma_wait3A_122] : memref<10112x64xf32, #tpu.memory_space<vmem_shared>> -> memref<10112x64xf32, #tpu.memory_space<vmem_shared>>
        tpu.wait_indirect_dma semaphore(%run_scoped3A : memref<!tpu.dma_semaphore, #tpu.memory_space<semaphore_mem>>) src(%arg12 : memref<64x64xf32, #tpu.memory_space<vmem>>) dst(%dma_wait3A_123 : memref<10112x64xf32, #tpu.memory_space<vmem_shared>>)
        tpu.yield
      }) : () -> ()
      %add3A_106 = arith.constant 4 : i32
      %add3A_107 = arith.addi %add3A_99, %add3A_106 : i32
      %lt3A_108 = arith.cmpi slt, %add3A_107, %select_n3A : i32
      %convert_element_type3A_109 = arith.extui %lt3A_108 : i1 to i32
      %cond3A_110 = arith.constant 0 : i32
      %cond3A_111 = arith.cmpi ne, %convert_element_type3A_109, %cond3A_110 : i32
      scf.if %cond3A_111 {
        %add3A_112 = arith.constant 4 : i32
        %add3A_113 = arith.addi %add3A_99, %add3A_112 : i32
        %dma_start3A_114 = arith.constant 0 : i32
        %dma_start3A_115 = tpu.memref_slice %arg7[%add3A_113, %dma_start3A_114] : memref<216x64xi32, #tpu.memory_space<vmem>> -> memref<1x64xi32, #tpu.memory_space<vmem>>
        %dma_start3A_116 = tpu.memref_squeeze %dma_start3A_115 : memref<1x64xi32, #tpu.memory_space<vmem>> -> memref<64xi32, #tpu.memory_space<vmem>>
        %dma_start3A_117 = arith.constant 0 : i32
        %dma_start3A_118 = arith.constant 0 : i32
        %dma_start3A_119 = tpu.memref_slice %arg2[%dma_start3A_117, %dma_start3A_118] : memref<10000x64xf32, #tpu.memory_space<hbm>> -> memref<10000x64xf32, #tpu.memory_space<hbm>>
        tpu.enqueue_indirect_dma source(%dma_start3A_119 : memref<10000x64xf32, #tpu.memory_space<hbm>>) target(%arg12 : memref<64x64xf32, #tpu.memory_space<vmem>>) offsets(%dma_start3A_116 : memref<64xi32, #tpu.memory_space<vmem>>) semaphore(%arg17 : memref<!tpu.dma_semaphore, #tpu.memory_space<semaphore_mem>>)
      } else {
      }
    }
    %while3A_56 = arith.constant 1 : i32
    scf.for %while3A_58 = %while3A_54 to %while3A_50 step %while3A_56  : i32 {
      %mul3A_59 = arith.constant 4 : i32
      %mul3A_60 = arith.muli %while3A_58, %mul3A_59 : i32
      %add3A = arith.constant 0 : i32
      %add3A_61 = arith.addi %mul3A_60, %add3A : i32
      %dma_wait3A = arith.constant 0 : i32
      %dma_wait3A_62 = tpu.memref_slice %arg7[%add3A_61, %dma_wait3A] : memref<216x64xi32, #tpu.memory_space<vmem>> -> memref<1x64xi32, #tpu.memory_space<vmem>>
      %dma_wait3A_63 = tpu.memref_squeeze %dma_wait3A_62 : memref<1x64xi32, #tpu.memory_space<vmem>> -> memref<64xi32, #tpu.memory_space<vmem>>
      %dma_wait3A_64 = arith.constant 0 : i32
      %dma_wait3A_65 = arith.constant 0 : i32
      %dma_wait3A_66 = tpu.memref_slice %arg2[%dma_wait3A_64, %dma_wait3A_65] : memref<10000x64xf32, #tpu.memory_space<hbm>> -> memref<10000x64xf32, #tpu.memory_space<hbm>>
      tpu.wait_indirect_dma semaphore(%arg14 : memref<!tpu.dma_semaphore, #tpu.memory_space<semaphore_mem>>) src(%dma_wait3A_66 : memref<10000x64xf32, #tpu.memory_space<hbm>>) dst(%arg9 : memref<64x64xf32, #tpu.memory_space<vmem>>)
      "tpu.region"() ({
        %run_scoped3A = tpu.sem_alloc : memref<!tpu.dma_semaphore, #tpu.memory_space<semaphore_mem>>
        %dma_start3A_112 = arith.constant 0 : i32
        %dma_start3A_113 = tpu.memref_slice %arg8[%add3A_61, %dma_start3A_112] : memref<216x64xi32, #tpu.memory_space<vmem>> -> memref<1x64xi32, #tpu.memory_space<vmem>>
        %dma_start3A_114 = tpu.memref_squeeze %dma_start3A_113 : memref<1x64xi32, #tpu.memory_space<vmem>> -> memref<64xi32, #tpu.memory_space<vmem>>
        %dma_start3A_115 = arith.constant 0 : i32
        %dma_start3A_116 = arith.constant 0 : i32
        %dma_start3A_117 = tpu.memref_slice %arg13[%dma_start3A_115, %dma_start3A_116] : memref<10112x64xf32, #tpu.memory_space<vmem_shared>> -> memref<10112x64xf32, #tpu.memory_space<vmem_shared>>
        tpu.enqueue_indirect_dma source(%arg9 : memref<64x64xf32, #tpu.memory_space<vmem>>) target(%dma_start3A_117 : memref<10112x64xf32, #tpu.memory_space<vmem_shared>>) offsets(%dma_start3A_114 : memref<64xi32, #tpu.memory_space<vmem>>) semaphore(%run_scoped3A : memref<!tpu.dma_semaphore, #tpu.memory_space<semaphore_mem>>) {add = true}
        %dma_wait3A_118 = arith.constant 0 : i32
        %dma_wait3A_119 = tpu.memref_slice %arg8[%add3A_61, %dma_wait3A_118] : memref<216x64xi32, #tpu.memory_space<vmem>> -> memref<1x64xi32, #tpu.memory_space<vmem>>
        %dma_wait3A_120 = tpu.memref_squeeze %dma_wait3A_119 : memref<1x64xi32, #tpu.memory_space<vmem>> -> memref<64xi32, #tpu.memory_space<vmem>>
        %dma_wait3A_121 = arith.constant 0 : i32
        %dma_wait3A_122 = arith.constant 0 : i32
        %dma_wait3A_123 = tpu.memref_slice %arg13[%dma_wait3A_121, %dma_wait3A_122] : memref<10112x64xf32, #tpu.memory_space<vmem_shared>> -> memref<10112x64xf32, #tpu.memory_space<vmem_shared>>
        tpu.wait_indirect_dma semaphore(%run_scoped3A : memref<!tpu.dma_semaphore, #tpu.memory_space<semaphore_mem>>) src(%arg9 : memref<64x64xf32, #tpu.memory_space<vmem>>) dst(%dma_wait3A_123 : memref<10112x64xf32, #tpu.memory_space<vmem_shared>>)
        tpu.yield
      }) : () -> ()
      %add3A_67 = arith.constant 4 : i32
      %add3A_68 = arith.addi %add3A_61, %add3A_67 : i32
      %lt3A = arith.cmpi slt, %add3A_68, %select_n3A : i32
      %convert_element_type3A = arith.extui %lt3A : i1 to i32
      %cond3A = arith.constant 0 : i32
      %cond3A_69 = arith.cmpi ne, %convert_element_type3A, %cond3A : i32
      scf.if %cond3A_69 {
        %add3A_112 = arith.constant 4 : i32
        %add3A_113 = arith.addi %add3A_61, %add3A_112 : i32
        %dma_start3A_114 = arith.constant 0 : i32
        %dma_start3A_115 = tpu.memref_slice %arg7[%add3A_113, %dma_start3A_114] : memref<216x64xi32, #tpu.memory_space<vmem>> -> memref<1x64xi32, #tpu.memory_space<vmem>>
        %dma_start3A_116 = tpu.memref_squeeze %dma_start3A_115 : memref<1x64xi32, #tpu.memory_space<vmem>> -> memref<64xi32, #tpu.memory_space<vmem>>
        %dma_start3A_117 = arith.constant 0 : i32
        %dma_start3A_118 = arith.constant 0 : i32
        %dma_start3A_119 = tpu.memref_slice %arg2[%dma_start3A_117, %dma_start3A_118] : memref<10000x64xf32, #tpu.memory_space<hbm>> -> memref<10000x64xf32, #tpu.memory_space<hbm>>
        tpu.enqueue_indirect_dma source(%dma_start3A_119 : memref<10000x64xf32, #tpu.memory_space<hbm>>) target(%arg9 : memref<64x64xf32, #tpu.memory_space<vmem>>) offsets(%dma_start3A_116 : memref<64xi32, #tpu.memory_space<vmem>>) semaphore(%arg14 : memref<!tpu.dma_semaphore, #tpu.memory_space<semaphore_mem>>)
      } else {
      }
      %add3A_70 = arith.constant 1 : i32
      %add3A_71 = arith.addi %mul3A_60, %add3A_70 : i32
      %dma_wait3A_72 = arith.constant 0 : i32
      %dma_wait3A_73 = tpu.memref_slice %arg7[%add3A_71, %dma_wait3A_72] : memref<216x64xi32, #tpu.memory_space<vmem>> -> memref<1x64xi32, #tpu.memory_space<vmem>>
      %dma_wait3A_74 = tpu.memref_squeeze %dma_wait3A_73 : memref<1x64xi32, #tpu.memory_space<vmem>> -> memref<64xi32, #tpu.memory_space<vmem>>
      %dma_wait3A_75 = arith.constant 0 : i32
      %dma_wait3A_76 = arith.constant 0 : i32
      %dma_wait3A_77 = tpu.memref_slice %arg2[%dma_wait3A_75, %dma_wait3A_76] : memref<10000x64xf32, #tpu.memory_space<hbm>> -> memref<10000x64xf32, #tpu.memory_space<hbm>>
      tpu.wait_indirect_dma semaphore(%arg15 : memref<!tpu.dma_semaphore, #tpu.memory_space<semaphore_mem>>) src(%dma_wait3A_77 : memref<10000x64xf32, #tpu.memory_space<hbm>>) dst(%arg10 : memref<64x64xf32, #tpu.memory_space<vmem>>)
      "tpu.region"() ({
        %run_scoped3A = tpu.sem_alloc : memref<!tpu.dma_semaphore, #tpu.memory_space<semaphore_mem>>
        %dma_start3A_112 = arith.constant 0 : i32
        %dma_start3A_113 = tpu.memref_slice %arg8[%add3A_71, %dma_start3A_112] : memref<216x64xi32, #tpu.memory_space<vmem>> -> memref<1x64xi32, #tpu.memory_space<vmem>>
        %dma_start3A_114 = tpu.memref_squeeze %dma_start3A_113 : memref<1x64xi32, #tpu.memory_space<vmem>> -> memref<64xi32, #tpu.memory_space<vmem>>
        %dma_start3A_115 = arith.constant 0 : i32
        %dma_start3A_116 = arith.constant 0 : i32
        %dma_start3A_117 = tpu.memref_slice %arg13[%dma_start3A_115, %dma_start3A_116] : memref<10112x64xf32, #tpu.memory_space<vmem_shared>> -> memref<10112x64xf32, #tpu.memory_space<vmem_shared>>
        tpu.enqueue_indirect_dma source(%arg10 : memref<64x64xf32, #tpu.memory_space<vmem>>) target(%dma_start3A_117 : memref<10112x64xf32, #tpu.memory_space<vmem_shared>>) offsets(%dma_start3A_114 : memref<64xi32, #tpu.memory_space<vmem>>) semaphore(%run_scoped3A : memref<!tpu.dma_semaphore, #tpu.memory_space<semaphore_mem>>) {add = true}
        %dma_wait3A_118 = arith.constant 0 : i32
        %dma_wait3A_119 = tpu.memref_slice %arg8[%add3A_71, %dma_wait3A_118] : memref<216x64xi32, #tpu.memory_space<vmem>> -> memref<1x64xi32, #tpu.memory_space<vmem>>
        %dma_wait3A_120 = tpu.memref_squeeze %dma_wait3A_119 : memref<1x64xi32, #tpu.memory_space<vmem>> -> memref<64xi32, #tpu.memory_space<vmem>>
        %dma_wait3A_121 = arith.constant 0 : i32
        %dma_wait3A_122 = arith.constant 0 : i32
        %dma_wait3A_123 = tpu.memref_slice %arg13[%dma_wait3A_121, %dma_wait3A_122] : memref<10112x64xf32, #tpu.memory_space<vmem_shared>> -> memref<10112x64xf32, #tpu.memory_space<vmem_shared>>
        tpu.wait_indirect_dma semaphore(%run_scoped3A : memref<!tpu.dma_semaphore, #tpu.memory_space<semaphore_mem>>) src(%arg10 : memref<64x64xf32, #tpu.memory_space<vmem>>) dst(%dma_wait3A_123 : memref<10112x64xf32, #tpu.memory_space<vmem_shared>>)
        tpu.yield
      }) : () -> ()
      %add3A_78 = arith.constant 4 : i32
      %add3A_79 = arith.addi %add3A_71, %add3A_78 : i32
      %lt3A_80 = arith.cmpi slt, %add3A_79, %select_n3A : i32
      %convert_element_type3A_81 = arith.extui %lt3A_80 : i1 to i32
      %cond3A_82 = arith.constant 0 : i32
      %cond3A_83 = arith.cmpi ne, %convert_element_type3A_81, %cond3A_82 : i32
      scf.if %cond3A_83 {
        %add3A_112 = arith.constant 4 : i32
        %add3A_113 = arith.addi %add3A_71, %add3A_112 : i32
        %dma_start3A_114 = arith.constant 0 : i32
        %dma_start3A_115 = tpu.memref_slice %arg7[%add3A_113, %dma_start3A_114] : memref<216x64xi32, #tpu.memory_space<vmem>> -> memref<1x64xi32, #tpu.memory_space<vmem>>
        %dma_start3A_116 = tpu.memref_squeeze %dma_start3A_115 : memref<1x64xi32, #tpu.memory_space<vmem>> -> memref<64xi32, #tpu.memory_space<vmem>>
        %dma_start3A_117 = arith.constant 0 : i32
        %dma_start3A_118 = arith.constant 0 : i32
        %dma_start3A_119 = tpu.memref_slice %arg2[%dma_start3A_117, %dma_start3A_118] : memref<10000x64xf32, #tpu.memory_space<hbm>> -> memref<10000x64xf32, #tpu.memory_space<hbm>>
        tpu.enqueue_indirect_dma source(%dma_start3A_119 : memref<10000x64xf32, #tpu.memory_space<hbm>>) target(%arg10 : memref<64x64xf32, #tpu.memory_space<vmem>>) offsets(%dma_start3A_116 : memref<64xi32, #tpu.memory_space<vmem>>) semaphore(%arg15 : memref<!tpu.dma_semaphore, #tpu.memory_space<semaphore_mem>>)
      } else {
      }
      %add3A_84 = arith.constant 2 : i32
      %add3A_85 = arith.addi %mul3A_60, %add3A_84 : i32
      %dma_wait3A_86 = arith.constant 0 : i32
      %dma_wait3A_87 = tpu.memref_slice %arg7[%add3A_85, %dma_wait3A_86] : memref<216x64xi32, #tpu.memory_space<vmem>> -> memref<1x64xi32, #tpu.memory_space<vmem>>
      %dma_wait3A_88 = tpu.memref_squeeze %dma_wait3A_87 : memref<1x64xi32, #tpu.memory_space<vmem>> -> memref<64xi32, #tpu.memory_space<vmem>>
      %dma_wait3A_89 = arith.constant 0 : i32
      %dma_wait3A_90 = arith.constant 0 : i32
      %dma_wait3A_91 = tpu.memref_slice %arg2[%dma_wait3A_89, %dma_wait3A_90] : memref<10000x64xf32, #tpu.memory_space<hbm>> -> memref<10000x64xf32, #tpu.memory_space<hbm>>
      tpu.wait_indirect_dma semaphore(%arg16 : memref<!tpu.dma_semaphore, #tpu.memory_space<semaphore_mem>>) src(%dma_wait3A_91 : memref<10000x64xf32, #tpu.memory_space<hbm>>) dst(%arg11 : memref<64x64xf32, #tpu.memory_space<vmem>>)
      "tpu.region"() ({
        %run_scoped3A = tpu.sem_alloc : memref<!tpu.dma_semaphore, #tpu.memory_space<semaphore_mem>>
        %dma_start3A_112 = arith.constant 0 : i32
        %dma_start3A_113 = tpu.memref_slice %arg8[%add3A_85, %dma_start3A_112] : memref<216x64xi32, #tpu.memory_space<vmem>> -> memref<1x64xi32, #tpu.memory_space<vmem>>
        %dma_start3A_114 = tpu.memref_squeeze %dma_start3A_113 : memref<1x64xi32, #tpu.memory_space<vmem>> -> memref<64xi32, #tpu.memory_space<vmem>>
        %dma_start3A_115 = arith.constant 0 : i32
        %dma_start3A_116 = arith.constant 0 : i32
        %dma_start3A_117 = tpu.memref_slice %arg13[%dma_start3A_115, %dma_start3A_116] : memref<10112x64xf32, #tpu.memory_space<vmem_shared>> -> memref<10112x64xf32, #tpu.memory_space<vmem_shared>>
        tpu.enqueue_indirect_dma source(%arg11 : memref<64x64xf32, #tpu.memory_space<vmem>>) target(%dma_start3A_117 : memref<10112x64xf32, #tpu.memory_space<vmem_shared>>) offsets(%dma_start3A_114 : memref<64xi32, #tpu.memory_space<vmem>>) semaphore(%run_scoped3A : memref<!tpu.dma_semaphore, #tpu.memory_space<semaphore_mem>>) {add = true}
        %dma_wait3A_118 = arith.constant 0 : i32
        %dma_wait3A_119 = tpu.memref_slice %arg8[%add3A_85, %dma_wait3A_118] : memref<216x64xi32, #tpu.memory_space<vmem>> -> memref<1x64xi32, #tpu.memory_space<vmem>>
        %dma_wait3A_120 = tpu.memref_squeeze %dma_wait3A_119 : memref<1x64xi32, #tpu.memory_space<vmem>> -> memref<64xi32, #tpu.memory_space<vmem>>
        %dma_wait3A_121 = arith.constant 0 : i32
        %dma_wait3A_122 = arith.constant 0 : i32
        %dma_wait3A_123 = tpu.memref_slice %arg13[%dma_wait3A_121, %dma_wait3A_122] : memref<10112x64xf32, #tpu.memory_space<vmem_shared>> -> memref<10112x64xf32, #tpu.memory_space<vmem_shared>>
        tpu.wait_indirect_dma semaphore(%run_scoped3A : memref<!tpu.dma_semaphore, #tpu.memory_space<semaphore_mem>>) src(%arg11 : memref<64x64xf32, #tpu.memory_space<vmem>>) dst(%dma_wait3A_123 : memref<10112x64xf32, #tpu.memory_space<vmem_shared>>)
        tpu.yield
      }) : () -> ()
      %add3A_92 = arith.constant 4 : i32
      %add3A_93 = arith.addi %add3A_85, %add3A_92 : i32
      %lt3A_94 = arith.cmpi slt, %add3A_93, %select_n3A : i32
      %convert_element_type3A_95 = arith.extui %lt3A_94 : i1 to i32
      %cond3A_96 = arith.constant 0 : i32
      %cond3A_97 = arith.cmpi ne, %convert_element_type3A_95, %cond3A_96 : i32
      scf.if %cond3A_97 {
        %add3A_112 = arith.constant 4 : i32
        %add3A_113 = arith.addi %add3A_85, %add3A_112 : i32
        %dma_start3A_114 = arith.constant 0 : i32
        %dma_start3A_115 = tpu.memref_slice %arg7[%add3A_113, %dma_start3A_114] : memref<216x64xi32, #tpu.memory_space<vmem>> -> memref<1x64xi32, #tpu.memory_space<vmem>>
        %dma_start3A_116 = tpu.memref_squeeze %dma_start3A_115 : memref<1x64xi32, #tpu.memory_space<vmem>> -> memref<64xi32, #tpu.memory_space<vmem>>
        %dma_start3A_117 = arith.constant 0 : i32
        %dma_start3A_118 = arith.constant 0 : i32
        %dma_start3A_119 = tpu.memref_slice %arg2[%dma_start3A_117, %dma_start3A_118] : memref<10000x64xf32, #tpu.memory_space<hbm>> -> memref<10000x64xf32, #tpu.memory_space<hbm>>
        tpu.enqueue_indirect_dma source(%dma_start3A_119 : memref<10000x64xf32, #tpu.memory_space<hbm>>) target(%arg11 : memref<64x64xf32, #tpu.memory_space<vmem>>) offsets(%dma_start3A_116 : memref<64xi32, #tpu.memory_space<vmem>>) semaphore(%arg16 : memref<!tpu.dma_semaphore, #tpu.memory_space<semaphore_mem>>)
      } else {
      }
      %add3A_98 = arith.constant 3 : i32
      %add3A_99 = arith.addi %mul3A_60, %add3A_98 : i32
      %dma_wait3A_100 = arith.constant 0 : i32
      %dma_wait3A_101 = tpu.memref_slice %arg7[%add3A_99, %dma_wait3A_100] : memref<216x64xi32, #tpu.memory_space<vmem>> -> memref<1x64xi32, #tpu.memory_space<vmem>>
      %dma_wait3A_102 = tpu.memref_squeeze %dma_wait3A_101 : memref<1x64xi32, #tpu.memory_space<vmem>> -> memref<64xi32, #tpu.memory_space<vmem>>
      %dma_wait3A_103 = arith.constant 0 : i32
      %dma_wait3A_104 = arith.constant 0 : i32
      %dma_wait3A_105 = tpu.memref_slice %arg2[%dma_wait3A_103, %dma_wait3A_104] : memref<10000x64xf32, #tpu.memory_space<hbm>> -> memref<10000x64xf32, #tpu.memory_space<hbm>>
      tpu.wait_indirect_dma semaphore(%arg17 : memref<!tpu.dma_semaphore, #tpu.memory_space<semaphore_mem>>) src(%dma_wait3A_105 : memref<10000x64xf32, #tpu.memory_space<hbm>>) dst(%arg12 : memref<64x64xf32, #tpu.memory_space<vmem>>)
      "tpu.region"() ({
        %run_scoped3A = tpu.sem_alloc : memref<!tpu.dma_semaphore, #tpu.memory_space<semaphore_mem>>
        %dma_start3A_112 = arith.constant 0 : i32
        %dma_start3A_113 = tpu.memref_slice %arg8[%add3A_99, %dma_start3A_112] : memref<216x64xi32, #tpu.memory_space<vmem>> -> memref<1x64xi32, #tpu.memory_space<vmem>>
        %dma_start3A_114 = tpu.memref_squeeze %dma_start3A_113 : memref<1x64xi32, #tpu.memory_space<vmem>> -> memref<64xi32, #tpu.memory_space<vmem>>
        %dma_start3A_115 = arith.constant 0 : i32
        %dma_start3A_116 = arith.constant 0 : i32
        %dma_start3A_117 = tpu.memref_slice %arg13[%dma_start3A_115, %dma_start3A_116] : memref<10112x64xf32, #tpu.memory_space<vmem_shared>> -> memref<10112x64xf32, #tpu.memory_space<vmem_shared>>
        tpu.enqueue_indirect_dma source(%arg12 : memref<64x64xf32, #tpu.memory_space<vmem>>) target(%dma_start3A_117 : memref<10112x64xf32, #tpu.memory_space<vmem_shared>>) offsets(%dma_start3A_114 : memref<64xi32, #tpu.memory_space<vmem>>) semaphore(%run_scoped3A : memref<!tpu.dma_semaphore, #tpu.memory_space<semaphore_mem>>) {add = true}
        %dma_wait3A_118 = arith.constant 0 : i32
        %dma_wait3A_119 = tpu.memref_slice %arg8[%add3A_99, %dma_wait3A_118] : memref<216x64xi32, #tpu.memory_space<vmem>> -> memref<1x64xi32, #tpu.memory_space<vmem>>
        %dma_wait3A_120 = tpu.memref_squeeze %dma_wait3A_119 : memref<1x64xi32, #tpu.memory_space<vmem>> -> memref<64xi32, #tpu.memory_space<vmem>>
        %dma_wait3A_121 = arith.constant 0 : i32
        %dma_wait3A_122 = arith.constant 0 : i32
        %dma_wait3A_123 = tpu.memref_slice %arg13[%dma_wait3A_121, %dma_wait3A_122] : memref<10112x64xf32, #tpu.memory_space<vmem_shared>> -> memref<10112x64xf32, #tpu.memory_space<vmem_shared>>
        tpu.wait_indirect_dma semaphore(%run_scoped3A : memref<!tpu.dma_semaphore, #tpu.memory_space<semaphore_mem>>) src(%arg12 : memref<64x64xf32, #tpu.memory_space<vmem>>) dst(%dma_wait3A_123 : memref<10112x64xf32, #tpu.memory_space<vmem_shared>>)
        tpu.yield
      }) : () -> ()
      %add3A_106 = arith.constant 4 : i32
      %add3A_107 = arith.addi %add3A_99, %add3A_106 : i32
      %lt3A_108 = arith.cmpi slt, %add3A_107, %select_n3A : i32
      %convert_element_type3A_109 = arith.extui %lt3A_108 : i1 to i32
      %cond3A_110 = arith.constant 0 : i32
      %cond3A_111 = arith.cmpi ne, %convert_element_type3A_109, %cond3A_110 : i32
      scf.if %cond3A_111 {
        %add3A_112 = arith.constant 4 : i32
        %add3A_113 = arith.addi %add3A_99, %add3A_112 : i32
        %dma_start3A_114 = arith.constant 0 : i32
        %dma_start3A_115 = tpu.memref_slice %arg7[%add3A_113, %dma_start3A_114] : memref<216x64xi32, #tpu.memory_space<vmem>> -> memref<1x64xi32, #tpu.memory_space<vmem>>
        %dma_start3A_116 = tpu.memref_squeeze %dma_start3A_115 : memref<1x64xi32, #tpu.memory_space<vmem>> -> memref<64xi32, #tpu.memory_space<vmem>>
        %dma_start3A_117 = arith.constant 0 : i32
        %dma_start3A_118 = arith.constant 0 : i32
        %dma_start3A_119 = tpu.memref_slice %arg2[%dma_start3A_117, %dma_start3A_118] : memref<10000x64xf32, #tpu.memory_space<hbm>> -> memref<10000x64xf32, #tpu.memory_space<hbm>>
        tpu.enqueue_indirect_dma source(%dma_start3A_119 : memref<10000x64xf32, #tpu.memory_space<hbm>>) target(%arg12 : memref<64x64xf32, #tpu.memory_space<vmem>>) offsets(%dma_start3A_116 : memref<64xi32, #tpu.memory_space<vmem>>) semaphore(%arg17 : memref<!tpu.dma_semaphore, #tpu.memory_space<semaphore_mem>>)
      } else {
      }
    }
    %barrier3A_57 = arith.constant 0 : index
    tpu.barrier barrier_id(%barrier3A_57)
    "tpu.region"() ({
      %run_scoped3A = tpu.sem_alloc : memref<!tpu.dma_semaphore, #tpu.memory_space<semaphore_mem>>
      %dma_start3A_58 = arith.constant 0 : i32
      %dma_start3A_59 = tpu.memref_slice %arg6[%arg0, %mul3A_2, %dma_start3A_58] : memref<2x10112x64xf32, #tpu.memory_space<hbm>> -> memref<1x632x64xf32, #tpu.memory_space<hbm>>
      %dma_start3A_60 = tpu.memref_squeeze %dma_start3A_59 : memref<1x632x64xf32, #tpu.memory_space<hbm>> -> memref<632x64xf32, #tpu.memory_space<hbm>>
      %dma_start3A_61 = arith.constant 0 : i32
      %dma_start3A_62 = tpu.memref_slice %arg13[%mul3A_2, %dma_start3A_61] : memref<10112x64xf32, #tpu.memory_space<vmem_shared>> -> memref<632x64xf32, #tpu.memory_space<vmem_shared>>
      tpu.enqueue_dma source(%dma_start3A_62 : memref<632x64xf32, #tpu.memory_space<vmem_shared>>) target(%dma_start3A_60 : memref<632x64xf32, #tpu.memory_space<hbm>>) target_semaphore(%run_scoped3A : memref<!tpu.dma_semaphore, #tpu.memory_space<semaphore_mem>>)
      %dma_wait3A = arith.constant 0 : i32
      %dma_wait3A_63 = tpu.memref_slice %arg6[%arg0, %mul3A_2, %dma_wait3A] : memref<2x10112x64xf32, #tpu.memory_space<hbm>> -> memref<1x632x64xf32, #tpu.memory_space<hbm>>
      %dma_wait3A_64 = tpu.memref_squeeze %dma_wait3A_63 : memref<1x632x64xf32, #tpu.memory_space<hbm>> -> memref<632x64xf32, #tpu.memory_space<hbm>>
      %dma_wait3A_65 = arith.constant 0 : i32
      %dma_wait3A_66 = tpu.memref_slice %arg13[%mul3A_2, %dma_wait3A_65] : memref<10112x64xf32, #tpu.memory_space<vmem_shared>> -> memref<632x64xf32, #tpu.memory_space<vmem_shared>>
      tpu.wait_dma2 semaphore(%run_scoped3A : memref<!tpu.dma_semaphore, #tpu.memory_space<semaphore_mem>>) src(%dma_wait3A_66 : memref<632x64xf32, #tpu.memory_space<vmem_shared>>) dst(%dma_wait3A_64 : memref<632x64xf32, #tpu.memory_space<hbm>>)
      tpu.yield
    }) : () -> ()
    return
  }
}

module attributes {stable_mosaic.version = 14 : i64} {
  func.func @_pre_body(%arg0: memref<10000x128xf32, #tpu.memory_space<vmem>>, %arg1: memref<10000x8xf32, #tpu.memory_space<vmem>>) attributes {dimension_semantics = [], scalar_prefetch = 0 : i64, scratch_operands = 0 : i64, tpu.core_type = #tpu.core_type<tc>} {
    %get3A = arith.constant 0 : index
    %get3A_0 = arith.constant 0 : index
    %get3A_1 = vector.load %arg0[%get3A, %get3A_0] : memref<10000x128xf32, #tpu.memory_space<vmem>>, vector<10000x128xf32>
    %ne3A = arith.constant 0.000000e+00 : f32
    %ne3A_2 = vector.broadcast %ne3A : f32 to vector<10000x128xf32>
    %ne3A_3 = arith.cmpf one, %get3A_1, %ne3A_2 : vector<10000x128xf32>
    %convert_element_type3A = arith.extui %ne3A_3 : vector<10000x128xi1> to vector<10000x128xi32>
    %convert_element_type3A_4 = arith.sitofp %convert_element_type3A : vector<10000x128xi32> to vector<10000x128xf32>
    %reduce_sum3A = arith.constant dense<0.000000e+00> : vector<10000xf32>
    %reduce_sum3A_5 = vector.multi_reduction <add>, %convert_element_type3A_4, %reduce_sum3A [1] : vector<10000x128xf32> to vector<10000xf32>
    %broadcast_in_dim3A = vector.shape_cast %reduce_sum3A_5 : vector<10000xf32> to vector<10000x1xf32>
    %div3A = arith.constant 1.280000e+02 : f32
    %div3A_6 = vector.broadcast %div3A : f32 to vector<10000x1xf32>
    %div3A_7 = arith.divf %broadcast_in_dim3A, %div3A_6 : vector<10000x1xf32>
    %sub3A = arith.constant 1.000000e+00 : f32
    %sub3A_8 = vector.broadcast %sub3A : f32 to vector<10000x1xf32>
    %sub3A_9 = arith.subf %sub3A_8, %div3A_7 : vector<10000x1xf32>
    %add3A = arith.constant 1.000000e-15 : f32
    %add3A_10 = vector.broadcast %add3A : f32 to vector<10000x128xf32>
    %add3A_11 = arith.addf %get3A_1, %add3A_10 : vector<10000x128xf32>
    %log3A = math.log %add3A_11 : vector<10000x128xf32>
    %mul3A = arith.mulf %get3A_1, %log3A : vector<10000x128xf32>
    %reduce_sum3A_12 = arith.constant dense<0.000000e+00> : vector<10000xf32>
    %reduce_sum3A_13 = vector.multi_reduction <add>, %mul3A, %reduce_sum3A_12 [1] : vector<10000x128xf32> to vector<10000xf32>
    %broadcast_in_dim3A_14 = vector.shape_cast %reduce_sum3A_13 : vector<10000xf32> to vector<10000x1xf32>
    %neg3A = arith.constant 0.000000e+00 : f32
    %neg3A_15 = vector.broadcast %neg3A : f32 to vector<10000x1xf32>
    %neg3A_16 = arith.subf %neg3A_15, %broadcast_in_dim3A_14 : vector<10000x1xf32>
    %reduce_min3A = vector.shape_cast %sub3A_9 : vector<10000x1xf32> to vector<1x10000x1xf32>
    %reduce_min3A_17 = arith.constant dense<0x7F800000> : vector<1xf32>
    %reduce_min3A_18 = vector.multi_reduction <minimumf>, %reduce_min3A, %reduce_min3A_17 [1, 2] : vector<1x10000x1xf32> to vector<1xf32>
    %reduce_min3A_19 = vector.shape_cast %reduce_min3A_18 : vector<1xf32> to vector<1x1x1xf32>
    %reduce_min3A_20 = vector.extract %reduce_min3A_19[0, 0, 0] : f32 from vector<1x1x1xf32>
    %sub3A_21 = vector.broadcast %reduce_min3A_20 : f32 to vector<10000x1xf32>
    %sub3A_22 = arith.subf %sub3A_9, %sub3A_21 : vector<10000x1xf32>
    %reduce_max3A = vector.shape_cast %sub3A_9 : vector<10000x1xf32> to vector<1x10000x1xf32>
    %reduce_max3A_23 = arith.constant dense<0xFF800000> : vector<1xf32>
    %reduce_max3A_24 = vector.multi_reduction <maximumf>, %reduce_max3A, %reduce_max3A_23 [1, 2] : vector<1x10000x1xf32> to vector<1xf32>
    %reduce_max3A_25 = vector.shape_cast %reduce_max3A_24 : vector<1xf32> to vector<1x1x1xf32>
    %reduce_max3A_26 = vector.extract %reduce_max3A_25[0, 0, 0] : f32 from vector<1x1x1xf32>
    %reduce_min3A_27 = vector.shape_cast %sub3A_9 : vector<10000x1xf32> to vector<1x10000x1xf32>
    %reduce_min3A_28 = arith.constant dense<0x7F800000> : vector<1xf32>
    %reduce_min3A_29 = vector.multi_reduction <minimumf>, %reduce_min3A_27, %reduce_min3A_28 [1, 2] : vector<1x10000x1xf32> to vector<1xf32>
    %reduce_min3A_30 = vector.shape_cast %reduce_min3A_29 : vector<1xf32> to vector<1x1x1xf32>
    %reduce_min3A_31 = vector.extract %reduce_min3A_30[0, 0, 0] : f32 from vector<1x1x1xf32>
    %sub3A_32 = arith.subf %reduce_max3A_26, %reduce_min3A_31 : f32
    %div3A_33 = vector.broadcast %sub3A_32 : f32 to vector<10000x1xf32>
    %div3A_34 = arith.divf %sub3A_22, %div3A_33 : vector<10000x1xf32>
    %reduce_min3A_35 = vector.shape_cast %neg3A_16 : vector<10000x1xf32> to vector<1x10000x1xf32>
    %reduce_min3A_36 = arith.constant dense<0x7F800000> : vector<1xf32>
    %reduce_min3A_37 = vector.multi_reduction <minimumf>, %reduce_min3A_35, %reduce_min3A_36 [1, 2] : vector<1x10000x1xf32> to vector<1xf32>
    %reduce_min3A_38 = vector.shape_cast %reduce_min3A_37 : vector<1xf32> to vector<1x1x1xf32>
    %reduce_min3A_39 = vector.extract %reduce_min3A_38[0, 0, 0] : f32 from vector<1x1x1xf32>
    %sub3A_40 = vector.broadcast %reduce_min3A_39 : f32 to vector<10000x1xf32>
    %sub3A_41 = arith.subf %neg3A_16, %sub3A_40 : vector<10000x1xf32>
    %reduce_max3A_42 = vector.shape_cast %neg3A_16 : vector<10000x1xf32> to vector<1x10000x1xf32>
    %reduce_max3A_43 = arith.constant dense<0xFF800000> : vector<1xf32>
    %reduce_max3A_44 = vector.multi_reduction <maximumf>, %reduce_max3A_42, %reduce_max3A_43 [1, 2] : vector<1x10000x1xf32> to vector<1xf32>
    %reduce_max3A_45 = vector.shape_cast %reduce_max3A_44 : vector<1xf32> to vector<1x1x1xf32>
    %reduce_max3A_46 = vector.extract %reduce_max3A_45[0, 0, 0] : f32 from vector<1x1x1xf32>
    %reduce_min3A_47 = vector.shape_cast %neg3A_16 : vector<10000x1xf32> to vector<1x10000x1xf32>
    %reduce_min3A_48 = arith.constant dense<0x7F800000> : vector<1xf32>
    %reduce_min3A_49 = vector.multi_reduction <minimumf>, %reduce_min3A_47, %reduce_min3A_48 [1, 2] : vector<1x10000x1xf32> to vector<1xf32>
    %reduce_min3A_50 = vector.shape_cast %reduce_min3A_49 : vector<1xf32> to vector<1x1x1xf32>
    %reduce_min3A_51 = vector.extract %reduce_min3A_50[0, 0, 0] : f32 from vector<1x1x1xf32>
    %sub3A_52 = arith.subf %reduce_max3A_46, %reduce_min3A_51 : f32
    %div3A_53 = vector.broadcast %sub3A_52 : f32 to vector<10000x1xf32>
    %div3A_54 = arith.divf %sub3A_41, %div3A_53 : vector<10000x1xf32>
    %broadcast_in_dim3A_55 = arith.constant 0.000000e+00 : f32
    %broadcast_in_dim3A_56 = vector.broadcast %broadcast_in_dim3A_55 : f32 to vector<10000x6xf32>
    %concatenate3A = tpu.concatenate %div3A_34, %div3A_54, %broadcast_in_dim3A_56 in 1 : vector<10000x1xf32>, vector<10000x1xf32>, vector<10000x6xf32> -> vector<10000x8xf32>
    %swap3A = arith.constant 0 : index
    %swap3A_57 = arith.constant 0 : index
    %swap3A_58 = vector.load %arg1[%swap3A, %swap3A_57] : memref<10000x8xf32, #tpu.memory_space<vmem>>, vector<10000x8xf32>
    tpu.vector_store %arg1[%swap3A, %swap3A_57], %concatenate3A {strides = array<i32>} : memref<10000x8xf32, #tpu.memory_space<vmem>>, vector<10000x8xf32>,
    return
  }
}

module attributes {stable_mosaic.version = 14 : i64} {
  func.func @_mid_body(%arg0: memref<2x10112x128xf32, #tpu.memory_space<vmem>>, %arg1: memref<2x10112x8xf32, #tpu.memory_space<vmem>>, %arg2: memref<130x256xf32, #tpu.memory_space<vmem>>, %arg3: memref<258x64xf32, #tpu.memory_space<vmem>>, %arg4: memref<10000x64xf32, #tpu.memory_space<vmem>>) attributes {dimension_semantics = [], scalar_prefetch = 0 : i64, scratch_operands = 0 : i64, tpu.core_type = #tpu.core_type<tc>} {
    %get3A = arith.constant 0 : index
    %get3A_0 = arith.constant 0 : index
    %get3A_1 = arith.constant 0 : index
    %get3A_2 = vector.load %arg0[%get3A, %get3A_0, %get3A_1] : memref<2x10112x128xf32, #tpu.memory_space<vmem>>, vector<1x10000x128xf32>
    %get3A_3 = vector.shape_cast %get3A_2 : vector<1x10000x128xf32> to vector<10000x128xf32>
    %get3A_4 = arith.constant 1 : index
    %get3A_5 = arith.constant 0 : index
    %get3A_6 = arith.constant 0 : index
    %get3A_7 = vector.load %arg0[%get3A_4, %get3A_5, %get3A_6] : memref<2x10112x128xf32, #tpu.memory_space<vmem>>, vector<1x10000x128xf32>
    %get3A_8 = vector.shape_cast %get3A_7 : vector<1x10000x128xf32> to vector<10000x128xf32>
    %add3A = arith.addf %get3A_3, %get3A_8 : vector<10000x128xf32>
    %get3A_9 = arith.constant 0 : index
    %get3A_10 = arith.constant 0 : index
    %get3A_11 = arith.constant 0 : index
    %get3A_12 = vector.load %arg1[%get3A_9, %get3A_10, %get3A_11] : memref<2x10112x8xf32, #tpu.memory_space<vmem>>, vector<1x10000x8xf32>
    %get3A_13 = vector.shape_cast %get3A_12 : vector<1x10000x8xf32> to vector<10000x8xf32>
    %get3A_14 = arith.constant 1 : index
    %get3A_15 = arith.constant 0 : index
    %get3A_16 = arith.constant 0 : index
    %get3A_17 = vector.load %arg1[%get3A_14, %get3A_15, %get3A_16] : memref<2x10112x8xf32, #tpu.memory_space<vmem>>, vector<1x10000x8xf32>
    %get3A_18 = vector.shape_cast %get3A_17 : vector<1x10000x8xf32> to vector<10000x8xf32>
    %add3A_19 = arith.addf %get3A_13, %get3A_18 : vector<10000x8xf32>
    %slice3A = vector.extract_strided_slice %add3A_19 {offsets = [0, 0], sizes = [10000, 2], strides = [1, 1]} : vector<10000x8xf32> to vector<10000x2xf32>
    %concatenate3A = tpu.concatenate %add3A, %slice3A in 1 : vector<10000x128xf32>, vector<10000x2xf32> -> vector<10000x130xf32>
    %get3A_20 = arith.constant 0 : index
    %get3A_21 = arith.constant 0 : index
    %get3A_22 = vector.load %arg2[%get3A_20, %get3A_21] : memref<130x256xf32, #tpu.memory_space<vmem>>, vector<130x256xf32>
    %dot_general3A = arith.constant dense<0.000000e+00> : vector<10000x256xf32>
    %dot_general3A_23 = tpu.matmul %concatenate3A, %get3A_22, %dot_general3A {dimension_numbers = #tpu.dot_dimension_numbers<[1], [0], [0], [1], [0, 0, 1, 1], [], []>, transpose_lhs_hint = false} : vector<10000x130xf32>, vector<130x256xf32>, vector<10000x256xf32> -> vector<10000x256xf32>
    %max3A = arith.constant 0.000000e+00 : f32
    %max3A_24 = vector.broadcast %max3A : f32 to vector<10000x256xf32>
    %max3A_25 = arith.maximumf %dot_general3A_23, %max3A_24 : vector<10000x256xf32>
    %ne3A = arith.constant 0.000000e+00 : f32
    %ne3A_26 = vector.broadcast %ne3A : f32 to vector<10000x256xf32>
    %ne3A_27 = arith.cmpf one, %max3A_25, %ne3A_26 : vector<10000x256xf32>
    %convert_element_type3A = arith.extui %ne3A_27 : vector<10000x256xi1> to vector<10000x256xi32>
    %convert_element_type3A_28 = arith.sitofp %convert_element_type3A : vector<10000x256xi32> to vector<10000x256xf32>
    %reduce_sum3A = arith.constant dense<0.000000e+00> : vector<10000xf32>
    %reduce_sum3A_29 = vector.multi_reduction <add>, %convert_element_type3A_28, %reduce_sum3A [1] : vector<10000x256xf32> to vector<10000xf32>
    %broadcast_in_dim3A = vector.shape_cast %reduce_sum3A_29 : vector<10000xf32> to vector<10000x1xf32>
    %div3A = arith.constant 2.560000e+02 : f32
    %div3A_30 = vector.broadcast %div3A : f32 to vector<10000x1xf32>
    %div3A_31 = arith.divf %broadcast_in_dim3A, %div3A_30 : vector<10000x1xf32>
    %sub3A = arith.constant 1.000000e+00 : f32
    %sub3A_32 = vector.broadcast %sub3A : f32 to vector<10000x1xf32>
    %sub3A_33 = arith.subf %sub3A_32, %div3A_31 : vector<10000x1xf32>
    %add3A_34 = arith.constant 1.000000e-15 : f32
    %add3A_35 = vector.broadcast %add3A_34 : f32 to vector<10000x256xf32>
    %add3A_36 = arith.addf %max3A_25, %add3A_35 : vector<10000x256xf32>
    %log3A = math.log %add3A_36 : vector<10000x256xf32>
    %mul3A = arith.mulf %max3A_25, %log3A : vector<10000x256xf32>
    %reduce_sum3A_37 = arith.constant dense<0.000000e+00> : vector<10000xf32>
    %reduce_sum3A_38 = vector.multi_reduction <add>, %mul3A, %reduce_sum3A_37 [1] : vector<10000x256xf32> to vector<10000xf32>
    %broadcast_in_dim3A_39 = vector.shape_cast %reduce_sum3A_38 : vector<10000xf32> to vector<10000x1xf32>
    %neg3A = arith.constant 0.000000e+00 : f32
    %neg3A_40 = vector.broadcast %neg3A : f32 to vector<10000x1xf32>
    %neg3A_41 = arith.subf %neg3A_40, %broadcast_in_dim3A_39 : vector<10000x1xf32>
    %reduce_min3A = vector.shape_cast %sub3A_33 : vector<10000x1xf32> to vector<1x10000x1xf32>
    %reduce_min3A_42 = arith.constant dense<0x7F800000> : vector<1xf32>
    %reduce_min3A_43 = vector.multi_reduction <minimumf>, %reduce_min3A, %reduce_min3A_42 [1, 2] : vector<1x10000x1xf32> to vector<1xf32>
    %reduce_min3A_44 = vector.shape_cast %reduce_min3A_43 : vector<1xf32> to vector<1x1x1xf32>
    %reduce_min3A_45 = vector.extract %reduce_min3A_44[0, 0, 0] : f32 from vector<1x1x1xf32>
    %sub3A_46 = vector.broadcast %reduce_min3A_45 : f32 to vector<10000x1xf32>
    %sub3A_47 = arith.subf %sub3A_33, %sub3A_46 : vector<10000x1xf32>
    %reduce_max3A = vector.shape_cast %sub3A_33 : vector<10000x1xf32> to vector<1x10000x1xf32>
    %reduce_max3A_48 = arith.constant dense<0xFF800000> : vector<1xf32>
    %reduce_max3A_49 = vector.multi_reduction <maximumf>, %reduce_max3A, %reduce_max3A_48 [1, 2] : vector<1x10000x1xf32> to vector<1xf32>
    %reduce_max3A_50 = vector.shape_cast %reduce_max3A_49 : vector<1xf32> to vector<1x1x1xf32>
    %reduce_max3A_51 = vector.extract %reduce_max3A_50[0, 0, 0] : f32 from vector<1x1x1xf32>
    %reduce_min3A_52 = vector.shape_cast %sub3A_33 : vector<10000x1xf32> to vector<1x10000x1xf32>
    %reduce_min3A_53 = arith.constant dense<0x7F800000> : vector<1xf32>
    %reduce_min3A_54 = vector.multi_reduction <minimumf>, %reduce_min3A_52, %reduce_min3A_53 [1, 2] : vector<1x10000x1xf32> to vector<1xf32>
    %reduce_min3A_55 = vector.shape_cast %reduce_min3A_54 : vector<1xf32> to vector<1x1x1xf32>
    %reduce_min3A_56 = vector.extract %reduce_min3A_55[0, 0, 0] : f32 from vector<1x1x1xf32>
    %sub3A_57 = arith.subf %reduce_max3A_51, %reduce_min3A_56 : f32
    %div3A_58 = vector.broadcast %sub3A_57 : f32 to vector<10000x1xf32>
    %div3A_59 = arith.divf %sub3A_47, %div3A_58 : vector<10000x1xf32>
    %reduce_min3A_60 = vector.shape_cast %neg3A_41 : vector<10000x1xf32> to vector<1x10000x1xf32>
    %reduce_min3A_61 = arith.constant dense<0x7F800000> : vector<1xf32>
    %reduce_min3A_62 = vector.multi_reduction <minimumf>, %reduce_min3A_60, %reduce_min3A_61 [1, 2] : vector<1x10000x1xf32> to vector<1xf32>
    %reduce_min3A_63 = vector.shape_cast %reduce_min3A_62 : vector<1xf32> to vector<1x1x1xf32>
    %reduce_min3A_64 = vector.extract %reduce_min3A_63[0, 0, 0] : f32 from vector<1x1x1xf32>
    %sub3A_65 = vector.broadcast %reduce_min3A_64 : f32 to vector<10000x1xf32>
    %sub3A_66 = arith.subf %neg3A_41, %sub3A_65 : vector<10000x1xf32>
    %reduce_max3A_67 = vector.shape_cast %neg3A_41 : vector<10000x1xf32> to vector<1x10000x1xf32>
    %reduce_max3A_68 = arith.constant dense<0xFF800000> : vector<1xf32>
    %reduce_max3A_69 = vector.multi_reduction <maximumf>, %reduce_max3A_67, %reduce_max3A_68 [1, 2] : vector<1x10000x1xf32> to vector<1xf32>
    %reduce_max3A_70 = vector.shape_cast %reduce_max3A_69 : vector<1xf32> to vector<1x1x1xf32>
    %reduce_max3A_71 = vector.extract %reduce_max3A_70[0, 0, 0] : f32 from vector<1x1x1xf32>
    %reduce_min3A_72 = vector.shape_cast %neg3A_41 : vector<10000x1xf32> to vector<1x10000x1xf32>
    %reduce_min3A_73 = arith.constant dense<0x7F800000> : vector<1xf32>
    %reduce_min3A_74 = vector.multi_reduction <minimumf>, %reduce_min3A_72, %reduce_min3A_73 [1, 2] : vector<1x10000x1xf32> to vector<1xf32>
    %reduce_min3A_75 = vector.shape_cast %reduce_min3A_74 : vector<1xf32> to vector<1x1x1xf32>
    %reduce_min3A_76 = vector.extract %reduce_min3A_75[0, 0, 0] : f32 from vector<1x1x1xf32>
    %sub3A_77 = arith.subf %reduce_max3A_71, %reduce_min3A_76 : f32
    %div3A_78 = vector.broadcast %sub3A_77 : f32 to vector<10000x1xf32>
    %div3A_79 = arith.divf %sub3A_66, %div3A_78 : vector<10000x1xf32>
    %get3A_80 = arith.constant 0 : index
    %get3A_81 = arith.constant 0 : index
    %get3A_82 = vector.load %arg3[%get3A_80, %get3A_81] : memref<258x64xf32, #tpu.memory_space<vmem>>, vector<256x64xf32>
    %dot_general3A_83 = arith.constant dense<0.000000e+00> : vector<10000x64xf32>
    %dot_general3A_84 = tpu.matmul %max3A_25, %get3A_82, %dot_general3A_83 {dimension_numbers = #tpu.dot_dimension_numbers<[1], [0], [0], [1], [0, 0, 1, 1], [], []>, transpose_lhs_hint = false} : vector<10000x256xf32>, vector<256x64xf32>, vector<10000x64xf32> -> vector<10000x64xf32>
    %get3A_85 = arith.constant 256 : index
    %get3A_86 = arith.constant 0 : index
    %get3A_87 = vector.load %arg3[%get3A_85, %get3A_86] : memref<258x64xf32, #tpu.memory_space<vmem>>, vector<1x64xf32>
    %mul3A_88 = vector.broadcast %div3A_59 : vector<10000x1xf32> to vector<10000x64xf32>
    %mul3A_89 = vector.broadcast %get3A_87 : vector<1x64xf32> to vector<10000x64xf32>
    %mul3A_90 = arith.mulf %mul3A_88, %mul3A_89 : vector<10000x64xf32>
    %add3A_91 = arith.addf %dot_general3A_84, %mul3A_90 : vector<10000x64xf32>
    %get3A_92 = arith.constant 257 : index
    %get3A_93 = arith.constant 0 : index
    %get3A_94 = vector.load %arg3[%get3A_92, %get3A_93] : memref<258x64xf32, #tpu.memory_space<vmem>>, vector<1x64xf32>
    %mul3A_95 = vector.broadcast %div3A_79 : vector<10000x1xf32> to vector<10000x64xf32>
    %mul3A_96 = vector.broadcast %get3A_94 : vector<1x64xf32> to vector<10000x64xf32>
    %mul3A_97 = arith.mulf %mul3A_95, %mul3A_96 : vector<10000x64xf32>
    %add3A_98 = arith.addf %add3A_91, %mul3A_97 : vector<10000x64xf32>
    %swap3A = arith.constant 0 : index
    %swap3A_99 = arith.constant 0 : index
    %swap3A_100 = vector.load %arg4[%swap3A, %swap3A_99] : memref<10000x64xf32, #tpu.memory_space<vmem>>, vector<10000x64xf32>
    tpu.vector_store %arg4[%swap3A, %swap3A_99], %add3A_98 {strides = array<i32>} : memref<10000x64xf32, #tpu.memory_space<vmem>>, vector<10000x64xf32>,
    return
  }
}

module attributes {stable_mosaic.version = 14 : i64} {
  func.func @_post_body(%arg0: memref<2x10112x64xf32, #tpu.memory_space<vmem>>, %arg1: memref<10000x64xf32, #tpu.memory_space<vmem>>) attributes {dimension_semantics = [], scalar_prefetch = 0 : i64, scratch_operands = 0 : i64, tpu.core_type = #tpu.core_type<tc>} {
    %get3A = arith.constant 0 : index
    %get3A_0 = arith.constant 0 : index
    %get3A_1 = arith.constant 0 : index
    %get3A_2 = vector.load %arg0[%get3A, %get3A_0, %get3A_1] : memref<2x10112x64xf32, #tpu.memory_space<vmem>>, vector<1x10000x64xf32>
    %get3A_3 = vector.shape_cast %get3A_2 : vector<1x10000x64xf32> to vector<10000x64xf32>
    %get3A_4 = arith.constant 1 : index
    %get3A_5 = arith.constant 0 : index
    %get3A_6 = arith.constant 0 : index
    %get3A_7 = vector.load %arg0[%get3A_4, %get3A_5, %get3A_6] : memref<2x10112x64xf32, #tpu.memory_space<vmem>>, vector<1x10000x64xf32>
    %get3A_8 = vector.shape_cast %get3A_7 : vector<1x10000x64xf32> to vector<10000x64xf32>
    %add3A = arith.addf %get3A_3, %get3A_8 : vector<10000x64xf32>
    %reduce_max3A = arith.constant dense<0xFF800000> : vector<10000xf32>
    %reduce_max3A_9 = vector.multi_reduction <maximumf>, %add3A, %reduce_max3A [1] : vector<10000x64xf32> to vector<10000xf32>
    %broadcast_in_dim3A = vector.shape_cast %reduce_max3A_9 : vector<10000xf32> to vector<10000x1xf32>
    %sub3A = vector.broadcast %broadcast_in_dim3A : vector<10000x1xf32> to vector<10000x64xf32>
    %sub3A_10 = arith.subf %add3A, %sub3A : vector<10000x64xf32>
    %exp3A = math.exp %sub3A_10 : vector<10000x64xf32>
    %reduce_sum3A = arith.constant dense<0.000000e+00> : vector<10000xf32>
    %reduce_sum3A_11 = vector.multi_reduction <add>, %exp3A, %reduce_sum3A [1] : vector<10000x64xf32> to vector<10000xf32>
    %broadcast_in_dim3A_12 = vector.shape_cast %reduce_sum3A_11 : vector<10000xf32> to vector<10000x1xf32>
    %log3A = math.log %broadcast_in_dim3A_12 : vector<10000x1xf32>
    %sub3A_13 = vector.broadcast %log3A : vector<10000x1xf32> to vector<10000x64xf32>
    %sub3A_14 = arith.subf %sub3A_10, %sub3A_13 : vector<10000x64xf32>
    %swap3A = arith.constant 0 : index
    %swap3A_15 = arith.constant 0 : index
    %swap3A_16 = vector.load %arg1[%swap3A, %swap3A_15] : memref<10000x64xf32, #tpu.memory_space<vmem>>, vector<10000x64xf32>
    tpu.vector_store %arg1[%swap3A, %swap3A_15], %sub3A_14 {strides = array<i32>} : memref<10000x64xf32, #tpu.memory_space<vmem>>, vector<10000x64xf32>,
    return
  }
}

</mosaic_0001>

<sc_bundles>
// kernel: kernel.10.cloned.1.call-start
scs
__scs_entry_jumppad:
0x0: {  	(pc) =	sbr.rel $0x88, $3  }
0x1: {  	(tag) =	ssettag $0x0;
	lr =	simm.s32 $0x1  }
0x2: {  	[smem:$0x3F9D] =	sst lr;
	_ =	strace $0xD0000000  }
0x3: {  	_ = 	snop  }
0x4: {  	_ = 	snop  }
0x5: {  	_ = 	snop  }
0x6: {  	_ = 	snop  }
0x7: {  	_ = 	snop  }
__scs_overlays_trampoline_lowered:
0x8: {  	[smem:$0x3FAC] =	sst s0  }
0x9: {  	[smem:$0x3FAD] =	sst s1  }
0xa: {  	[smem:$0x3FAE] =	sst s2  }
0xb: {  	[smem:$0x3FAF] =	sst s3  }
0xc: {  	[smem:$0x3FB0] =	sst s4  }
0xd: {  	[smem:$0x3FB1] =	sst s5  }
0xe: {  	[smem:$0x3FB2] =	sst s6  }
0xf: {  	[smem:$0x3FB3] =	sst s7  }
0x10: {  	[smem:$0x3FB4] =	sst s8  }
0x11: {  	[smem:$0x3FB5] =	sst s9;
	s0 =	simm.s32 @!p0 $0x0  }
0x12: {  	s1 =	sld [smem:$0x3F9B];
	s0 =	simm.s32 @p0 $0x1  }
0x13: {  	[smem:$0x3FB6] =	sst s0;
	s0 =	simm.s32 @!p1 $0x0  }
0x14: {  	s2 =	sld [smem:$0x3F9A];
	s0 =	simm.s32 @p1 $0x1  }
0x15: {  	[smem:$0x3FB7] =	sst s0;
	s0 =	simm.s32 @!p2 $0x0  }
0x16: {  	s3 =	sld [smem:$0x3FDB];
	s0 =	simm.s32 @p2 $0x1  }
0x17: {  	s4 =	simm.s32 $0x1BF5;
	[smem:$0x3FB9] =	sst s0  }
0x18: {  	s0 =	sld [smem:$0x3F9C];
	_ =	swait.ge [sflag:s4], $0x0  }
0x19: {  	s7 =	sld [smem:$0x3F9D]  }
0x1a: {  	s8 =	sadd.s32 $0xFFFFE003, lr  }
0x1b: {  	s9 =	sadd.s32 $0xFFFFFEF7, lr;
	s5 =	simm.s32 $0xFFFFFFFF;
	p2 =	slt.u32 s8, $0xFFFFF086  }
0x1c: {  	p1 =	slt.u32 s9, $0xF7A;
	s5 =	simm.s32 @!p2 $0x0  }
0x1d: {  	s5 =	simm.s32 @p1 $0x1;
	p0 =	seq.s32 s7, s2  }
0x1e: {  	s7 =	smul.u32 @!p0 $0xF7A, s2;
	p2 =	seq.s32 @!p0 s5, $0x0  }
0x1f: {  	s9 =	smul.u32 $0xF7A, s1;
	s8 =	simm.s32 @!p0 $0x1BF5;
	p2 =	por !p2, p0  }
0x20: {  	[sflag:s8] =	ssyncset.s32 @!p0 $0xFFFFF086;
	s6 =	sadd.s32 @!p0 s3, s7;
	s7 =	simm.s32 @!p0 $0x108  }
0x21: {  	s3 =	sadd.s32 s3, s9;
	s6 =	sadd.s32 @!p0 $0x88, s6;
	s7 =	simm.s32 @p2 $0x1082  }
0x22: {  	[simem:s7], [sflag:s8] =	dma.local @!p0 [hbm:s6], $0xF7A  }
0x23: {  	s9 =	sor.u32 $0xD0000000, s2;
	s6 =	simm.s32 $0x108;
	_ =	swait.ge @!p0 [sflag:s8], $0x0  }
0x24: {  	s3 =	sadd.s32 $0x88, s3;
	s6 =	simm.s32 @!p1 $0x1082;
	[sflag:s4] =	ssyncset.s32 $0xFFFFF086  }
0x25: {  	[simem:s6], [sflag:s4] =	dma.local [hbm:s3], $0xF7A  }
0x26: {  	[smem:$0x3F9D] =	sst s1;
	(tag) =	ssettag s2;
	_ =	strace s9  }
0x27: {  	s1 =	sld [smem:$0x3FAD]  }
0x28: {  	s2 =	sld [smem:$0x3FAE]  }
0x29: {  	s4 =	sld [smem:$0x3FB0]  }
0x2a: {  	p0 =	seq.s32 s5, $0x0;
	s5 =	sld [smem:$0x3FB1]  }
0x2b: {  	s6 =	sld [smem:$0x3FB2]  }
0x2c: {  	s7 =	sld [smem:$0x3FB3]  }
0x2d: {  	s3 =	simm.s32 $0x108;
	s8 =	sld [smem:$0x3FB4]  }
0x2e: {  	s3 =	simm.s32 @!p0 $0x1082;
	s9 =	sld [smem:$0x3FB5]  }
0x2f: {  	lr =	sadd.s32 s0, s3;
	s0 =	sld [smem:$0x3FAC]  }
0x30: {  	s3 =	sld [smem:$0x3FAF]  }
0x31: {  	[smem:$0x3FB8] =	sst s10  }
0x32: {  	s10 =	sld [smem:$0x3FB6];
	_ =	sdelay $0x3  }
0x33: {  	p0 =	seq.s32 s10, $0x1;
	s10 =	sld [smem:$0x3FB8];
	_ =	sdelay $0x3  }
0x34: {  	[smem:$0x3FB8] =	sst s10  }
0x35: {  	s10 =	sld [smem:$0x3FB7];
	_ =	sdelay $0x3  }
0x36: {  	p1 =	seq.s32 s10, $0x1;
	s10 =	sld [smem:$0x3FB8];
	_ =	sdelay $0x3  }
0x37: {  	[smem:$0x3FB8] =	sst s10  }
0x38: {  	s10 =	sld [smem:$0x3FB9]  }
0x39: {  	_ = 	snop;
	(pc) =	sbr.ind lr, $3  }
0x3a: {  	_ = 	snop  }
0x3b: {  	_ = 	snop  }
0x3c: {  	p2 =	seq.s32 s10, $0x1;
	s10 =	sld [smem:$0x3FB8]  }
0x3d: {  	_ =	shalt  }
0x3e: {  	_ =	shalt  }
0x3f: {  	_ =	shalt  }
0x40: {  	_ =	shalt  }
0x41: {  	_ =	shalt  }
0x42: {  	_ =	shalt  }
0x43: {  	_ =	shalt  }
0x44: {  	_ =	shalt  }
0x45: {  	_ =	shalt  }
0x46: {  	_ =	shalt  }
0x47: {  	_ =	shalt  }
0x48: {  	_ =	shalt  }
0x49: {  	_ =	shalt  }
0x4a: {  	_ =	shalt  }
0x4b: {  	_ =	shalt  }
0x4c: {  	_ =	shalt  }
0x4d: {  	_ =	shalt  }
0x4e: {  	_ =	shalt  }
0x4f: {  	_ =	shalt  }
0x50: {  	_ =	shalt  }
0x51: {  	_ =	shalt  }
0x52: {  	_ =	shalt  }
0x53: {  	_ =	shalt  }
0x54: {  	_ =	shalt  }
0x55: {  	_ =	shalt  }
0x56: {  	_ =	shalt  }
0x57: {  	_ =	shalt  }
0x58: {  	_ =	shalt  }
0x59: {  	_ =	shalt  }
0x5a: {  	_ =	shalt  }
0x5b: {  	_ =	shalt  }
0x5c: {  	_ =	shalt  }
0x5d: {  	_ =	shalt  }
0x5e: {  	_ =	shalt  }
0x5f: {  	_ =	shalt  }
0x60: {  	_ =	shalt  }
0x61: {  	_ =	shalt  }
0x62: {  	_ =	shalt  }
0x63: {  	_ =	shalt  }
0x64: {  	_ =	shalt  }
0x65: {  	_ =	shalt  }
0x66: {  	_ =	shalt  }
0x67: {  	_ =	shalt  }
0x68: {  	_ =	shalt  }
0x69: {  	_ =	shalt  }
0x6a: {  	_ =	shalt  }
0x6b: {  	_ =	shalt  }
0x6c: {  	_ =	shalt  }
0x6d: {  	_ =	shalt  }
0x6e: {  	_ =	shalt  }
0x6f: {  	_ =	shalt  }
0x70: {  	_ =	shalt  }
0x71: {  	_ =	shalt  }
0x72: {  	_ =	shalt  }
0x73: {  	_ =	shalt  }
0x74: {  	_ =	shalt  }
0x75: {  	_ =	shalt  }
0x76: {  	_ =	shalt  }
0x77: {  	_ =	shalt  }
0x78: {  	_ =	shalt  }
0x79: {  	_ =	shalt  }
0x7a: {  	_ =	shalt  }
0x7b: {  	_ =	shalt  }
0x7c: {  	_ =	shalt  }
0x7d: {  	_ =	shalt  }
0x7e: {  	_ =	shalt  }
0x7f: {  	_ =	shalt  }
0x80: {  	_ =	shalt  }
0x81: {  	_ =	shalt  }
0x82: {  	_ =	shalt  }
0x83: {  	_ =	shalt  }
0x84: {  	_ =	shalt  }
0x85: {  	_ =	shalt  }
0x86: {  	_ =	shalt  }
0x87: {  	_ =	shalt  }
.Lfunc_end0:
.L_simem_size_0:
called_computation.1_lowered:
.L_overlay_start_0:
0x88: {  	s2 =	sld [smem:$0x3FD9]  }
0x89: {  	s3 =	sld [smem:$0x3FFE];
	_ =	sdelay $0x1  }
0x8a: {  	s1 =	srdreg.scid  }
0x8b: {  	s0 =	sand.u32 $0x1, s1  }
0x8c: {  	s17 =	sshll.u32 s0, $0xA;
	s2 =	sadd.s32 s3, s2  }
0x8d: {  	s2 =	sadd.s32 s2, s17  }
0x8e: {  	[smem:$0x3FC4] =	sst s2  }
0x8f: {  	_ = 	snop  }
0x90: {  	s2 =	sld [smem:$0x3FD0];
	(tm) =	ssettm $0x1  }
0x91: {  	s18 =	sld [smem:$0x3FFB];
	_ =	sdelay $0x3  }
0x92: {  	_ =	strace s18  }
0x93: {  	s3 =	sld [smem:$0x3FFC];
	_ =	sdelay $0x3  }
0x94: {  	_ =	strace s3  }
0x95: {  	s3 =	sld [smem:$0x3FFD];
	_ =	sdelay $0x3  }
0x96: {  	_ =	strace s3  }
0x97: {  	_ =	strace $0x8FFFFFFF  }
0x98: {  	s19 =	sld [smem:$0x3FDB];
	_ =	sdelay $0x1  }
0x99: {  	s4 =	simm.s32 $_scs_section_size  }
0x9a: {  	s5 =	simm.s32 $_size__tile_overlayer_lowered;
	s6 =	simm.s32 $_tile_overlayer_lowered  }
0x9b: {  	s22 =	simm.s32 $0x1BFF;
	s21 =	sshll.u32 s6, $0x1;
	s3 =	sadd.s32 s4, s19  }
0x9c: {  	s7 =	simm.s32 $0x0;
	s20 =	sshll.u32 s5, $0x1;
	s5 =	sadd.s32 s21, s3  }
0x9d: {  	[timem:s7], [sflag:s22] =	dma.local [hbm:s5], s20  }
0x9e: {  	_ =	swait.ge [sflag:s22], s20  }
0x9f: {  	s4 =	ssub.s32 $0x0, s20;
	[sflag:s22] =	ssyncset.done $0x0  }
0xa0: {  	[sflag:s22] =	ssyncadd.s32 s4;
	_ =	sdelay $0x1  }
0xa1: {  	s23 =	simm.s32 $0x1B8B  }
0xa2: {  	_ =	swait.ge [sflag:s23], $0x1  }
0xa3: {  	[sflag:s23] =	ssyncset.done $0x0  }
0xa4: {  	s25 =	simm.s32 $0x1B8E;
	s24 =	sld [smem:$0x3FFE];
	[sflag:s23] =	ssyncadd.s32 $0xFFFFFFFF  }
0xa5: {  	s26 =	simm.s32 $execute0_lowered;
	[smem:$0x3FD2] =	sst s25  }
0xa6: {  	s5 =	sshll.u32 s26, $0x1;
	_ =	strace $0x80000049;
	[dreg:$0x1] =	wrdreg $0xFFFFFFFF  }
0xa7: {  	s28 =	simm.s32 $_size_execute0_lowered;
	s3 =	sadd.s32 s3, s5;
	[dreg:$0x0] =	wrdreg $0x0  }
0xa8: {  	s5 =	sshll.u32 s28, $0x1;
	[dreg:$0x2] =	wrdreg s3  }
0xa9: {  	[dreg:$0x3] =	wrdreg s5  }
0xaa: {  	[dreg:$0x4] =	wrdreg $0xC0  }
0xab: {  	_ =	task [dreg:s7], $0x5FFFF  }
0xac: {  	[dreg:$0x1] =	wrdreg $0xFFFFFFFF  }
0xad: {  	[dreg:$0x0] =	wrdreg $0x60  }
0xae: {  	[dreg:$0x2] =	wrdreg s24  }
0xaf: {  	[dreg:$0x3] =	wrdreg s2  }
0xb0: {  	[dreg:$0x4] =	wrdreg $0xAC000  }
0xb1: {  	[dreg:$0x5] =	wrdreg $0x9  }
0xb2: {  	_ =	task.clear_ibuf [dreg:s7], $0x6FFFF;
	_ =	strace $0x90000049  }
0xb3: {  	s29 =	simm.s32 $0x9;
	_ =	strace $0x8000004B  }
0xb4: {  	_ =	swait.ge [sflag:s29], $0x1  }
0xb5: {  	[sflag:s29] =	ssyncadd.s32 $0xFFFFFFFF  }
0xb6: {  	_ =	strace $0x9000004B  }
0xb7: {  	_ =	sfence  }
0xb8: {  	s30 =	sld [smem:$0x0];
	_ =	sdelay $0x2  }
0xb9: {  	s31 =	sshll.u32 s1, $0xD;
	s1 =	sshrl.u32 s1, $0x2  }
0xba: {  	s3 =	sand.u32 $0x4000, s31;
	s1 =	sadd.s32 s1, s30  }
0xbb: {  	s0 =	sor.u32 s3, s0;
	s1 =	sshll.u32 s1, $0x11  }
0xbc: {  	s0 =	sor.u32 s1, s0  }
0xbd: {  	s0 =	sadd.s32 $0x8F2B, s0  }
0xbe: {  	[sflag:s0] =	ssyncadd.remote.s32 $0x1  }
0xbf: {  	_ =	sfence.sel $0xFFFF  }
0xc0: {  	[dreg:$0x0] =	wrdreg $0xFFFFFFFF;
	(pc) =	sbr.abs _section_cstart, $3  }
0xc1: {  	[dreg:$0x1] =	wrdreg $0xFFFFFFFF  }
0xc2: {  	_ =	task.clear_ibuf [dreg:s7], $0x2FFFF;
	_ =	strace $0x9FFFFFFF  }
0xc3: {  	(tm) =	ssettm $0x7FFFFFFF  }
tec
execute0_lowered:
.L_overlay_start_1:
0x0: {  	(tag) =	ssettag $0x1  }
0x1: {  	s6 =	rddreg [dreg:$0x0]  }
0x2: {  	s0 =	srdreg.scid;
	s8 =	rddreg [dreg:$0x1]  }
0x3: {  	s28 =	stileid.u32;
	s2 =	rddreg [dreg:$0x2]  }
0x4: {  	s3 =	simm.s32 $0x0;
	s15 =	simm.s32 $0x40;
	s16 =	simm.s32 $0x6C00  }
0x5: {  	s17 =	simm.s32 $0x7C00;
	s18 =	simm.s32 $0x80;
	s19 =	simm.s32 $0x8C00  }
0x6: {  	s20 =	simm.s32 $0xC0;
	s21 =	simm.s32 $0x9C00;
	s22 =	simm.s32 $0x1  }
0x7: {  	s23 =	simm.s32 $0x2;
	s24 =	simm.s32 $0x3;
	s7 =	smul.u32 $0x3600, s28  }
0x8: {  	s25 =	simm.s32 $0x4;
	s5 =	sand.u32 $0x1, s0;
	s9 =	smul.u32 $0x9E00, s28  }
0x9: {  	s26 =	simm.s32 $0x0;
	[smem:$0x7FF] =	sst s3;
	s4 =	smul.u32 $0x36000, s5  }
0xa: {  	s13 =	sshll.u32 s28, $0x6;
	s10 =	smul.u32 $0x9E000, s5;
	_ =	strace $0x8000004A  }
0xb: {  	s11 =	ssub.s32 $0x2, s5;
	p0 =	seq.s32 s5, $0x0;
	s5 =	simm.s32 $0xD8  }
0xc: {  	s13 =	sor.u32 $0x1C05, s13;
	s12 =	sshrl.u32 s11, $0x1;
	s5 =	simm.s32 @!p0 $0x64  }
0xd: {  	s29 =	sshrl.u32 s9, $0x3;
	s14 =	sadd.s32 s9, s2;
	s7 =	sadd.s32 s7, s4  }
0xe: {  	s4 =	sadd.s32 $0x42A00, s6;
	s10 =	sadd.s32 s9, s10;
	s11 =	ssub.s32 s11, s12  }
0xf: {  	s8 =	sadd.s32 s8, s29;
	s30 =	sshll.u32 s5, $0x8;
	s12 =	simm.s32 $0x3600  }
0x10: {  	s14 =	sshrl.u32 s14, $0x3;
	s7 =	sshrl.u32 s7, $0x3;
	s10 =	sshrl.u32 s10, $0x3  }
0x11: {  	s31 =	sadd.s32 $0xFFFFFC00, s30;
	s7 =	sadd.s32 s7, s6;
	s10 =	sadd.s32 s10, s6  }
0x12: {  	[dreg:$0x4] =	wrdreg s31;
	s6 =	sadd.s32 $0x800, s7;
	s7 =	sadd.s32 $0xE000, s7  }
0x13: {  	s9 =	sadd.s32 $0x56400, s10;
	s10 =	smax.u32 s11, $0x1;
	s11 =	simm.s32 $0x5  }
.LBB2_1:
0x14: {  	[tilespmem:s3], [sflag:$0x5] =	stream.linear.gather [hbm4b:s6+s3], $0x3600, $0x38;
	[tilespmem:$0x14A00] =	vst v63  }
0x15: {  	_ =	swait.ge [sflag:s11], $0x3600  }
0x16: {  	[sflag:s11] =	ssyncset.done $0x0  }
0x17: {  	[sflag:s11] =	ssyncadd.s32 $0xFFFFCA00  }
0x18: {  	[tilespmem:s12], [sflag:$0x5] =	stream.linear.gather [hbm4b:s7+s3], $0x3600, $0x38;
	[tilespmem:$0x14A00] =	vst v63  }
0x19: {  	_ =	swait.ge [sflag:s11], $0x3600  }
0x1a: {  	[sflag:s11] =	ssyncset.done $0x0  }
0x1b: {  	[sflag:s11] =	ssyncadd.s32 $0xFFFFCA00  }
0x1c: {  	[spmem:s14], [sflag:s13] =	dma.local [hbm:s8], $0x13C0  }
0x1d: {  	_ =	swait.ge [sflag:s11], $0x13C0  }
0x1e: {  	[sflag:s11] =	ssyncset.done $0x0  }
0x1f: {  	[sflag:s11] =	ssyncadd.s32 $0xFFFFEC40  }
0x20: {  	[bflag:$0x0] =	sbarrier.arrive $0xFFFF  }
0x21: {  	[tilespmem:s16], [sflag:$0x1] =	stream.indirect.gather [hbm4b:s4+s15], $0x40, s3, s15, $0xb8;
	[tilespmem:$0x14A00] =	vst v63  }
0x22: {  	_ = 	snop  }
0x23: {  	[tilespmem:s17], [sflag:$0x2] =	stream.indirect.gather [hbm4b:s4+s15], $0x40, s15, s15, $0xb8;
	[tilespmem:$0x14A00] =	vst v63  }
0x24: {  	_ = 	snop  }
0x25: {  	[tilespmem:s19], [sflag:$0x3] =	stream.indirect.gather [hbm4b:s4+s15], $0x40, s18, s15, $0xb8;
	[tilespmem:$0x14A00] =	vst v63  }
0x26: {  	s29 =	simm.s32 $0x7;
	s28 =	simm.s32 $0x0  }
0x27: {  	[tilespmem:s21], [sflag:$0x4] =	stream.indirect.gather [hbm4b:s4+s15], $0x40, s20, s15, $0xb8;
	[tilespmem:$0x14A00] =	vst v63  }
.LBB2_2:
0x28: {  	_ =	swait.ge [sflag:s22], $0x1000  }
0x29: {  	s30 =	sshra.s32 s28, $0x2;
	[sflag:s22] =	ssyncset.done $0x0  }
0x2a: {  	s1 =	sadd.s32 $0xFFFFFFFD, s29;
	s31 =	sadd.s32 $0x3600, s30;
	[sflag:s22] =	ssyncadd.s32 $0xFFFFF000  }
0x2b: {  	[spmem:s2] =	stream.indirect.scatter.add.f32 [tilespmem:s16], [sflag:$0x5], $0x40, s31, s15, $0xb8;
	[tilespmem:$0x14A00] =	vst v63  }
0x2c: {  	p0 =	sge.u32 s1, s5;
	_ =	swait.ge [sflag:s11], $0x1000  }
0x2d: {  	s1 =	simm.s32 @!p0 $0x40;
	s31 =	sshra.s32 @!p0 s28, $0x2;
	[sflag:s11] =	ssyncset.done $0x0  }
0x2e: {  	s0 =	simm.s32 @!p0 $0x6C00;
	s31 =	sadd.s32 @!p0 $0x100, s31;
	[sflag:s11] =	ssyncadd.s32 $0xFFFFF000  }
0x2f: {  	[tilespmem:s0], [sflag:$0x1] =	stream.indirect.gather @!p0 [hbm4b:s4+s1], $0x40, s31, s1, $0xb8;
	[tilespmem:$0x14A00] =	vst v63  }
0x30: {  	_ =	swait.ge [sflag:s23], $0x1000  }
0x31: {  	[sflag:s23] =	ssyncset.done $0x0  }
0x32: {  	s31 =	sadd.s32 $0x3640, s30;
	s1 =	sadd.s32 $0xFFFFFFFE, s29;
	[sflag:s23] =	ssyncadd.s32 $0xFFFFF000  }
0x33: {  	[spmem:s2] =	stream.indirect.scatter.add.f32 [tilespmem:s17], [sflag:$0x5], $0x40, s31, s15, $0xb8;
	[tilespmem:$0x14A00] =	vst v63  }
0x34: {  	p0 =	sge.u32 s1, s5;
	_ =	swait.ge [sflag:s11], $0x1000  }
0x35: {  	s0 =	sshra.s32 @!p0 s28, $0x2;
	s1 =	simm.s32 @!p0 $0x40;
	[sflag:s11] =	ssyncset.done $0x0  }
0x36: {  	s0 =	sadd.s32 @!p0 $0x140, s0;
	s31 =	simm.s32 @!p0 $0x7C00;
	[sflag:s11] =	ssyncadd.s32 $0xFFFFF000  }
0x37: {  	[tilespmem:s31], [sflag:$0x2] =	stream.indirect.gather @!p0 [hbm4b:s4+s1], $0x40, s0, s1, $0xb8;
	[tilespmem:$0x14A00] =	vst v63  }
0x38: {  	_ =	swait.ge [sflag:s24], $0x1000  }
0x39: {  	[sflag:s24] =	ssyncset.done $0x0  }
0x3a: {  	s31 =	sadd.s32 $0x3680, s30;
	s1 =	sadd.s32 $0xFFFFFFFF, s29;
	[sflag:s24] =	ssyncadd.s32 $0xFFFFF000  }
0x3b: {  	[spmem:s2] =	stream.indirect.scatter.add.f32 [tilespmem:s19], [sflag:$0x5], $0x40, s31, s15, $0xb8;
	[tilespmem:$0x14A00] =	vst v63  }
0x3c: {  	p0 =	sge.u32 s1, s5;
	_ =	swait.ge [sflag:s11], $0x1000  }
0x3d: {  	s0 =	sshra.s32 @!p0 s28, $0x2;
	s1 =	simm.s32 @!p0 $0x40;
	[sflag:s11] =	ssyncset.done $0x0  }
0x3e: {  	s0 =	sadd.s32 @!p0 $0x180, s0;
	s31 =	simm.s32 @!p0 $0x8C00;
	[sflag:s11] =	ssyncadd.s32 $0xFFFFF000  }
0x3f: {  	[tilespmem:s31], [sflag:$0x3] =	stream.indirect.gather @!p0 [hbm4b:s4+s1], $0x40, s0, s1, $0xb8;
	[tilespmem:$0x14A00] =	vst v63  }
0x40: {  	_ =	swait.ge [sflag:s25], $0x1000  }
0x41: {  	[sflag:s25] =	ssyncset.done $0x0  }
0x42: {  	s31 =	sadd.s32 $0x36C0, s30;
	p0 =	sge.u32 s29, s5;
	[sflag:s25] =	ssyncadd.s32 $0xFFFFF000  }
0x43: {  	[spmem:s2] =	stream.indirect.scatter.add.f32 [tilespmem:s21], [sflag:$0x5], $0x40, s31, s15, $0xb8;
	[tilespmem:$0x14A00] =	vst v63  }
0x44: {  	s0 =	sshra.s32 @!p0 s28, $0x2;
	s1 =	simm.s32 @!p0 $0x40;
	_ =	swait.ge [sflag:s11], $0x1000  }
0x45: {  	s30 =	simm.s32 @!p0 $0x9C00;
	s28 =	sadd.s32 $0x400, s28;
	[sflag:s11] =	ssyncset.done $0x0  }
0x46: {  	s0 =	sadd.s32 @!p0 $0x1C0, s0;
	s31 =	rddreg [dreg:$0x4];
	[sflag:s11] =	ssyncadd.s32 $0xFFFFF000  }
0x47: {  	[tilespmem:s30], [sflag:$0x4] =	stream.indirect.gather @!p0 [hbm4b:s4+s1], $0x40, s0, s1, $0xb8;
	[tilespmem:$0x14A00] =	vst v63  }
0x48: {  	p0 =	sne.s32 s31, s28  }
.Ltmp0:
0x49: {  	_ = 	snop;
	(pc) =	sbr.rel @p0 .LBB2_2-.Ltmp0, $2  }
0x4a: {  	_ =	sdelay $0x2  }
0x4b: {  	s29 =	sadd.s32 $0x4, s29  }
0x4c: {  	_ =	swait.ge [sflag:s22], $0x1000  }
0x4d: {  	s0 =	sshra.s32 s28, $0x2;
	[sflag:s22] =	ssyncset.done $0x0  }
0x4e: {  	s31 =	sadd.s32 $0xFFFFFFFD, s29;
	s1 =	sadd.s32 $0x3600, s0;
	[sflag:s22] =	ssyncadd.s32 $0xFFFFF000  }
0x4f: {  	[spmem:s2] =	stream.indirect.scatter.add.f32 [tilespmem:s16], [sflag:$0x5], $0x40, s1, s15, $0xb8;
	[tilespmem:$0x14A00] =	vst v63  }
0x50: {  	p0 =	sge.u32 s31, s5;
	_ =	swait.ge [sflag:s11], $0x1000  }
0x51: {  	s30 =	simm.s32 @!p0 $0x40;
	s1 =	sshra.s32 @!p0 s28, $0x2;
	[sflag:s11] =	ssyncset.done $0x0  }
0x52: {  	s31 =	simm.s32 @!p0 $0x6C00;
	s1 =	sadd.s32 @!p0 $0x100, s1;
	[sflag:s11] =	ssyncadd.s32 $0xFFFFF000  }
0x53: {  	[tilespmem:s31], [sflag:$0x1] =	stream.indirect.gather @!p0 [hbm4b:s4+s30], $0x40, s1, s30, $0xb8;
	[tilespmem:$0x14A00] =	vst v63  }
0x54: {  	_ =	swait.ge [sflag:s23], $0x1000  }
0x55: {  	[sflag:s23] =	ssyncset.done $0x0  }
0x56: {  	s30 =	sadd.s32 $0x3640, s0;
	s31 =	sadd.s32 $0xFFFFFFFE, s29;
	[sflag:s23] =	ssyncadd.s32 $0xFFFFF000  }
0x57: {  	[spmem:s2] =	stream.indirect.scatter.add.f32 [tilespmem:s17], [sflag:$0x5], $0x40, s30, s15, $0xb8;
	[tilespmem:$0x14A00] =	vst v63  }
0x58: {  	p0 =	sge.u32 s31, s5;
	_ =	swait.ge [sflag:s11], $0x1000  }
0x59: {  	s1 =	sshra.s32 @!p0 s28, $0x2;
	s31 =	simm.s32 @!p0 $0x7C00;
	[sflag:s11] =	ssyncset.done $0x0  }
0x5a: {  	s1 =	sadd.s32 @!p0 $0x140, s1;
	s30 =	simm.s32 @!p0 $0x40;
	[sflag:s11] =	ssyncadd.s32 $0xFFFFF000  }
0x5b: {  	[tilespmem:s31], [sflag:$0x2] =	stream.indirect.gather @!p0 [hbm4b:s4+s30], $0x40, s1, s30, $0xb8;
	[tilespmem:$0x14A00] =	vst v63  }
0x5c: {  	_ =	swait.ge [sflag:s24], $0x1000  }
0x5d: {  	[sflag:s24] =	ssyncset.done $0x0  }
0x5e: {  	s30 =	sadd.s32 $0x3680, s0;
	s31 =	sadd.s32 $0xFFFFFFFF, s29;
	[sflag:s24] =	ssyncadd.s32 $0xFFFFF000  }
0x5f: {  	[spmem:s2] =	stream.indirect.scatter.add.f32 [tilespmem:s19], [sflag:$0x5], $0x40, s30, s15, $0xb8;
	[tilespmem:$0x14A00] =	vst v63  }
0x60: {  	p0 =	sge.u32 s31, s5;
	_ =	swait.ge [sflag:s11], $0x1000  }
0x61: {  	s1 =	sshra.s32 @!p0 s28, $0x2;
	s31 =	simm.s32 @!p0 $0x8C00;
	[sflag:s11] =	ssyncset.done $0x0  }
0x62: {  	s1 =	sadd.s32 @!p0 $0x180, s1;
	s30 =	simm.s32 @!p0 $0x40;
	[sflag:s11] =	ssyncadd.s32 $0xFFFFF000  }
0x63: {  	[tilespmem:s31], [sflag:$0x3] =	stream.indirect.gather @!p0 [hbm4b:s4+s30], $0x40, s1, s30, $0xb8;
	[tilespmem:$0x14A00] =	vst v63  }
0x64: {  	_ =	swait.ge [sflag:s25], $0x1000  }
0x65: {  	[sflag:s25] =	ssyncset.done $0x0  }
0x66: {  	s0 =	sadd.s32 $0x36C0, s0;
	[sflag:s25] =	ssyncadd.s32 $0xFFFFF000  }
0x67: {  	[spmem:s2] =	stream.indirect.scatter.add.f32 [tilespmem:s21], [sflag:$0x5], $0x40, s0, s15, $0xb8;
	[tilespmem:$0x14A00] =	vst v63  }
0x68: {  	s26 =	sadd.s32 $0x1, s26;
	p0 =	sge.u32 s29, s5;
	_ =	swait.ge [sflag:s11], $0x1000  }
0x69: {  	s1 =	simm.s32 @!p0 $0x40;
	s0 =	sshra.s32 @!p0 s28, $0x2;
	[sflag:s11] =	ssyncset.done $0x0  }
0x6a: {  	s28 =	simm.s32 @!p0 $0x9C00;
	s0 =	sadd.s32 @!p0 $0x1C0, s0;
	[sflag:s11] =	ssyncadd.s32 $0xFFFFF000  }
0x6b: {  	[tilespmem:s28], [sflag:$0x4] =	stream.indirect.gather @!p0 [hbm4b:s4+s1], $0x40, s0, s1, $0xb8;
	[tilespmem:$0x14A00] =	vst v63  }
0x6c: {  	p0 =	sne.s32 s26, s10  }
.Ltmp1:
0x6d: {  	[bflag:$0x0] =	sbarrier.arrive $0xFFFF;
	(pc) =	sbr.rel @p0 .LBB2_1-.Ltmp1, $4  }
0x6e: {  	[hbm:s9], [sflag:s13] =	dma.local [spmem:s14], $0x13C0  }
0x6f: {  	_ =	swait.ge [sflag:s11], $0x13C0  }
0x70: {  	[sflag:s11] =	ssyncset.done $0x0  }
0x71: {  	[sflag:s11] =	ssyncadd.s32 $0xFFFFEC40  }
0x72: {  	_ =	sfence.sel $0x180000  }
0x73: {  	[bflag:$0x0] =	sbarrier.arrive $0xFFFF  }
0x74: {  	_ =	strace $0x9000004A  }
0x75: {  	s0 =	stileid.u32;
	[bflag:$0x2] =	sbarrier.arrive $0xFFFF  }
0x76: {  	p0 =	sne.s32 s0, $0x0;
	s0 =	rddreg [dreg:$0x3]  }
0x77: {  	s0 =	sadd.s32 @!p0 $0x100000, s0  }
0x78: {  	[sflag:s0] =	ssyncadd.tile.s32 @!p0 $0x1;
	_ =	shalt  }
.Lfunc_end2:
_tile_overlayer_lowered:
.L_overlay_start_2:
0x79: {  	(tag) =	ssettag $0x2  }
0x7a: {  	s0 =	rddreg [dreg:$0x0];
	s2 =	stileid.u32  }
0x7b: {  	s1 =	rddreg [dreg:$0x1];
	p0 =	sne.s32 s2, $0x0  }
0x7c: {  	s3 =	rddreg [dreg:$0x2];
	[bflag:$0x3] =	sbarrier.arrive $0xFFFF;
	s2 =	simm.s32 @!p0 $0x1C05  }
0x7d: {  	[timem:s3], [sflag:s2] =	dma.local @!p0 [hbm:s0], s1  }
0x7e: {  	s0 =	simm.s32 @!p0 $0x5  }
0x7f: {  	_ =	swait.ge @!p0 [sflag:s0], s1  }
0x80: {  	s1 =	ssub.s32 @!p0 $0x0, s1;
	[sflag:s0] =	ssyncset.done @!p0 $0x0  }
0x81: {  	[sflag:s0] =	ssyncadd.s32 @!p0 s1  }
0x82: {  	[bflag:$0x3] =	sbarrier.arrive $0xFFFF  }
0x83: {  	_ =	shalt  }

// kernel: kernel.7.cloned.1.call-start
scs
__scs_entry_jumppad:
0x0: {  	(pc) =	sbr.rel $0x88, $3  }
0x1: {  	(tag) =	ssettag $0x0;
	lr =	simm.s32 $0x1  }
0x2: {  	[smem:$0x3F9D] =	sst lr;
	_ =	strace $0xD0000000  }
0x3: {  	_ = 	snop  }
0x4: {  	_ = 	snop  }
0x5: {  	_ = 	snop  }
0x6: {  	_ = 	snop  }
0x7: {  	_ = 	snop  }
__scs_overlays_trampoline_lowered:
0x8: {  	[smem:$0x3FAC] =	sst s0  }
0x9: {  	[smem:$0x3FAD] =	sst s1  }
0xa: {  	[smem:$0x3FAE] =	sst s2  }
0xb: {  	[smem:$0x3FAF] =	sst s3  }
0xc: {  	[smem:$0x3FB0] =	sst s4  }
0xd: {  	[smem:$0x3FB1] =	sst s5  }
0xe: {  	[smem:$0x3FB2] =	sst s6  }
0xf: {  	[smem:$0x3FB3] =	sst s7  }
0x10: {  	[smem:$0x3FB4] =	sst s8  }
0x11: {  	[smem:$0x3FB5] =	sst s9;
	s0 =	simm.s32 @!p0 $0x0  }
0x12: {  	s1 =	sld [smem:$0x3F9B];
	s0 =	simm.s32 @p0 $0x1  }
0x13: {  	[smem:$0x3FB6] =	sst s0;
	s0 =	simm.s32 @!p1 $0x0  }
0x14: {  	s2 =	sld [smem:$0x3F9A];
	s0 =	simm.s32 @p1 $0x1  }
0x15: {  	[smem:$0x3FB7] =	sst s0;
	s0 =	simm.s32 @!p2 $0x0  }
0x16: {  	s3 =	sld [smem:$0x3FDB];
	s0 =	simm.s32 @p2 $0x1  }
0x17: {  	s4 =	simm.s32 $0x1BF5;
	[smem:$0x3FB9] =	sst s0  }
0x18: {  	s0 =	sld [smem:$0x3F9C];
	_ =	swait.ge [sflag:s4], $0x0  }
0x19: {  	s7 =	sld [smem:$0x3F9D]  }
0x1a: {  	s8 =	sadd.s32 $0xFFFFE003, lr  }
0x1b: {  	s9 =	sadd.s32 $0xFFFFFEF7, lr;
	s5 =	simm.s32 $0xFFFFFFFF;
	p2 =	slt.u32 s8, $0xFFFFF086  }
0x1c: {  	p1 =	slt.u32 s9, $0xF7A;
	s5 =	simm.s32 @!p2 $0x0  }
0x1d: {  	s5 =	simm.s32 @p1 $0x1;
	p0 =	seq.s32 s7, s2  }
0x1e: {  	s7 =	smul.u32 @!p0 $0xF7A, s2;
	p2 =	seq.s32 @!p0 s5, $0x0  }
0x1f: {  	s9 =	smul.u32 $0xF7A, s1;
	s8 =	simm.s32 @!p0 $0x1BF5;
	p2 =	por !p2, p0  }
0x20: {  	[sflag:s8] =	ssyncset.s32 @!p0 $0xFFFFF086;
	s6 =	sadd.s32 @!p0 s3, s7;
	s7 =	simm.s32 @!p0 $0x108  }
0x21: {  	s3 =	sadd.s32 s3, s9;
	s6 =	sadd.s32 @!p0 $0x88, s6;
	s7 =	simm.s32 @p2 $0x1082  }
0x22: {  	[simem:s7], [sflag:s8] =	dma.local @!p0 [hbm:s6], $0xF7A  }
0x23: {  	s9 =	sor.u32 $0xD0000000, s2;
	s6 =	simm.s32 $0x108;
	_ =	swait.ge @!p0 [sflag:s8], $0x0  }
0x24: {  	s3 =	sadd.s32 $0x88, s3;
	s6 =	simm.s32 @!p1 $0x1082;
	[sflag:s4] =	ssyncset.s32 $0xFFFFF086  }
0x25: {  	[simem:s6], [sflag:s4] =	dma.local [hbm:s3], $0xF7A  }
0x26: {  	[smem:$0x3F9D] =	sst s1;
	(tag) =	ssettag s2;
	_ =	strace s9  }
0x27: {  	s1 =	sld [smem:$0x3FAD]  }
0x28: {  	s2 =	sld [smem:$0x3FAE]  }
0x29: {  	s4 =	sld [smem:$0x3FB0]  }
0x2a: {  	p0 =	seq.s32 s5, $0x0;
	s5 =	sld [smem:$0x3FB1]  }
0x2b: {  	s6 =	sld [smem:$0x3FB2]  }
0x2c: {  	s7 =	sld [smem:$0x3FB3]  }
0x2d: {  	s3 =	simm.s32 $0x108;
	s8 =	sld [smem:$0x3FB4]  }
0x2e: {  	s3 =	simm.s32 @!p0 $0x1082;
	s9 =	sld [smem:$0x3FB5]  }
0x2f: {  	lr =	sadd.s32 s0, s3;
	s0 =	sld [smem:$0x3FAC]  }
0x30: {  	s3 =	sld [smem:$0x3FAF]  }
0x31: {  	[smem:$0x3FB8] =	sst s10  }
0x32: {  	s10 =	sld [smem:$0x3FB6];
	_ =	sdelay $0x3  }
0x33: {  	p0 =	seq.s32 s10, $0x1;
	s10 =	sld [smem:$0x3FB8];
	_ =	sdelay $0x3  }
0x34: {  	[smem:$0x3FB8] =	sst s10  }
0x35: {  	s10 =	sld [smem:$0x3FB7];
	_ =	sdelay $0x3  }
0x36: {  	p1 =	seq.s32 s10, $0x1;
	s10 =	sld [smem:$0x3FB8];
	_ =	sdelay $0x3  }
0x37: {  	[smem:$0x3FB8] =	sst s10  }
0x38: {  	s10 =	sld [smem:$0x3FB9]  }
0x39: {  	_ = 	snop;
	(pc) =	sbr.ind lr, $3  }
0x3a: {  	_ = 	snop  }
0x3b: {  	_ = 	snop  }
0x3c: {  	p2 =	seq.s32 s10, $0x1;
	s10 =	sld [smem:$0x3FB8]  }
0x3d: {  	_ =	shalt  }
0x3e: {  	_ =	shalt  }
0x3f: {  	_ =	shalt  }
0x40: {  	_ =	shalt  }
0x41: {  	_ =	shalt  }
0x42: {  	_ =	shalt  }
0x43: {  	_ =	shalt  }
0x44: {  	_ =	shalt  }
0x45: {  	_ =	shalt  }
0x46: {  	_ =	shalt  }
0x47: {  	_ =	shalt  }
0x48: {  	_ =	shalt  }
0x49: {  	_ =	shalt  }
0x4a: {  	_ =	shalt  }
0x4b: {  	_ =	shalt  }
0x4c: {  	_ =	shalt  }
0x4d: {  	_ =	shalt  }
0x4e: {  	_ =	shalt  }
0x4f: {  	_ =	shalt  }
0x50: {  	_ =	shalt  }
0x51: {  	_ =	shalt  }
0x52: {  	_ =	shalt  }
0x53: {  	_ =	shalt  }
0x54: {  	_ =	shalt  }
0x55: {  	_ =	shalt  }
0x56: {  	_ =	shalt  }
0x57: {  	_ =	shalt  }
0x58: {  	_ =	shalt  }
0x59: {  	_ =	shalt  }
0x5a: {  	_ =	shalt  }
0x5b: {  	_ =	shalt  }
0x5c: {  	_ =	shalt  }
0x5d: {  	_ =	shalt  }
0x5e: {  	_ =	shalt  }
0x5f: {  	_ =	shalt  }
0x60: {  	_ =	shalt  }
0x61: {  	_ =	shalt  }
0x62: {  	_ =	shalt  }
0x63: {  	_ =	shalt  }
0x64: {  	_ =	shalt  }
0x65: {  	_ =	shalt  }
0x66: {  	_ =	shalt  }
0x67: {  	_ =	shalt  }
0x68: {  	_ =	shalt  }
0x69: {  	_ =	shalt  }
0x6a: {  	_ =	shalt  }
0x6b: {  	_ =	shalt  }
0x6c: {  	_ =	shalt  }
0x6d: {  	_ =	shalt  }
0x6e: {  	_ =	shalt  }
0x6f: {  	_ =	shalt  }
0x70: {  	_ =	shalt  }
0x71: {  	_ =	shalt  }
0x72: {  	_ =	shalt  }
0x73: {  	_ =	shalt  }
0x74: {  	_ =	shalt  }
0x75: {  	_ =	shalt  }
0x76: {  	_ =	shalt  }
0x77: {  	_ =	shalt  }
0x78: {  	_ =	shalt  }
0x79: {  	_ =	shalt  }
0x7a: {  	_ =	shalt  }
0x7b: {  	_ =	shalt  }
0x7c: {  	_ =	shalt  }
0x7d: {  	_ =	shalt  }
0x7e: {  	_ =	shalt  }
0x7f: {  	_ =	shalt  }
0x80: {  	_ =	shalt  }
0x81: {  	_ =	shalt  }
0x82: {  	_ =	shalt  }
0x83: {  	_ =	shalt  }
0x84: {  	_ =	shalt  }
0x85: {  	_ =	shalt  }
0x86: {  	_ =	shalt  }
0x87: {  	_ =	shalt  }
.Lfunc_end0:
.L_simem_size_0:
called_computation_lowered:
.L_overlay_start_0:
0x88: {  	s2 =	sld [smem:$0x3FD9]  }
0x89: {  	s3 =	sld [smem:$0x3FFE];
	_ =	sdelay $0x1  }
0x8a: {  	s1 =	srdreg.scid  }
0x8b: {  	s0 =	sand.u32 $0x1, s1  }
0x8c: {  	s17 =	sshll.u32 s0, $0xA;
	s2 =	sadd.s32 s3, s2  }
0x8d: {  	s2 =	sadd.s32 s2, s17  }
0x8e: {  	[smem:$0x3FC4] =	sst s2  }
0x8f: {  	_ = 	snop  }
0x90: {  	s2 =	sld [smem:$0x3FC9]  }
0x91: {  	s18 =	sld [smem:$0x3FD0];
	(tm) =	ssettm $0x1  }
0x92: {  	s4 =	sld [smem:$0x3FFB];
	_ =	sdelay $0x3  }
0x93: {  	_ =	strace s4  }
0x94: {  	s4 =	sld [smem:$0x3FFC];
	_ =	sdelay $0x3  }
0x95: {  	_ =	strace s4  }
0x96: {  	s4 =	sld [smem:$0x3FFD];
	_ =	sdelay $0x3  }
0x97: {  	_ =	strace s4  }
0x98: {  	_ =	strace $0x8FFFFFFF  }
0x99: {  	s19 =	sld [smem:$0x3FDB];
	_ =	sdelay $0x1  }
0x9a: {  	s5 =	simm.s32 $_scs_section_size  }
0x9b: {  	s6 =	simm.s32 $_size__tile_overlayer_lowered;
	s7 =	simm.s32 $_tile_overlayer_lowered  }
0x9c: {  	s22 =	simm.s32 $0x1BFF;
	s21 =	sshll.u32 s7, $0x1;
	s4 =	sadd.s32 s5, s19  }
0x9d: {  	s8 =	simm.s32 $0x0;
	s20 =	sshll.u32 s6, $0x1;
	s6 =	sadd.s32 s21, s4  }
0x9e: {  	[timem:s8], [sflag:s22] =	dma.local [hbm:s6], s20  }
0x9f: {  	_ =	swait.ge [sflag:s22], s20  }
0xa0: {  	s5 =	ssub.s32 $0x0, s20;
	[sflag:s22] =	ssyncset.done $0x0  }
0xa1: {  	[sflag:s22] =	ssyncadd.s32 s5;
	_ =	sdelay $0x1  }
0xa2: {  	s23 =	simm.s32 $0x1B8B  }
0xa3: {  	_ =	swait.ge [sflag:s23], $0x1  }
0xa4: {  	[sflag:s23] =	ssyncset.done $0x0  }
0xa5: {  	s25 =	simm.s32 $0x1B8E;
	s24 =	sld [smem:$0x3FFE];
	[sflag:s23] =	ssyncadd.s32 $0xFFFFFFFF  }
0xa6: {  	s26 =	simm.s32 $execute0_lowered;
	[smem:$0x3FD2] =	sst s25  }
0xa7: {  	s6 =	sshll.u32 s26, $0x1;
	_ =	strace $0x80000046;
	[dreg:$0x1] =	wrdreg $0xFFFFFFFF  }
0xa8: {  	s28 =	simm.s32 $_size_execute0_lowered;
	s4 =	sadd.s32 s4, s6;
	[dreg:$0x0] =	wrdreg $0x0  }
0xa9: {  	s6 =	sshll.u32 s28, $0x1;
	[dreg:$0x2] =	wrdreg s4  }
0xaa: {  	[dreg:$0x3] =	wrdreg s6  }
0xab: {  	[dreg:$0x4] =	wrdreg $0xC0  }
0xac: {  	_ =	task [dreg:s8], $0x5FFFF  }
0xad: {  	[dreg:$0x1] =	wrdreg $0xFFFFFFFF  }
0xae: {  	[dreg:$0x0] =	wrdreg $0x60  }
0xaf: {  	[dreg:$0x2] =	wrdreg s2  }
0xb0: {  	[dreg:$0x3] =	wrdreg s24  }
0xb1: {  	[dreg:$0x4] =	wrdreg s18  }
0xb2: {  	[dreg:$0x5] =	wrdreg $0xB0000  }
0xb3: {  	[dreg:$0x6] =	wrdreg $0x1EC000  }
0xb4: {  	[dreg:$0x7] =	wrdreg $0x9  }
0xb5: {  	_ =	task.clear_ibuf [dreg:s8], $0x8FFFF;
	_ =	strace $0x90000046  }
0xb6: {  	s29 =	simm.s32 $0x9;
	_ =	strace $0x80000048  }
0xb7: {  	_ =	swait.ge [sflag:s29], $0x1  }
0xb8: {  	[sflag:s29] =	ssyncadd.s32 $0xFFFFFFFF  }
0xb9: {  	_ =	strace $0x90000048  }
0xba: {  	_ =	sfence  }
0xbb: {  	s30 =	sld [smem:$0x0];
	_ =	sdelay $0x2  }
0xbc: {  	s31 =	sshll.u32 s1, $0xD;
	s1 =	sshrl.u32 s1, $0x2  }
0xbd: {  	s3 =	sand.u32 $0x4000, s31;
	s1 =	sadd.s32 s1, s30  }
0xbe: {  	s0 =	sor.u32 s3, s0;
	s1 =	sshll.u32 s1, $0x11  }
0xbf: {  	s0 =	sor.u32 s1, s0  }
0xc0: {  	s0 =	sadd.s32 $0x8F2B, s0  }
0xc1: {  	[sflag:s0] =	ssyncadd.remote.s32 $0x1  }
0xc2: {  	_ =	sfence.sel $0xFFFF  }
0xc3: {  	[dreg:$0x0] =	wrdreg $0xFFFFFFFF;
	(pc) =	sbr.abs _section_cstart, $3  }
0xc4: {  	[dreg:$0x1] =	wrdreg $0xFFFFFFFF  }
0xc5: {  	_ =	task.clear_ibuf [dreg:s8], $0x2FFFF;
	_ =	strace $0x9FFFFFFF  }
0xc6: {  	(tm) =	ssettm $0x7FFFFFFF  }
0xc7: {  	_ =	shalt  }
tec
execute0_lowered:
.L_overlay_start_1:
0x0: {  	(tag) =	ssettag $0x1  }
0x1: {  	s0 =	rddreg [dreg:$0x0]  }
0x2: {  	s1 =	rddreg [dreg:$0x1]  }
0x3: {  	s2 =	rddreg [dreg:$0x2]  }
0x4: {  	s3 =	rddreg [dreg:$0x3];
	s18 =	stileid.u32  }
0x5: {  	s5 =	srdreg.scid;
	s7 =	smul.u32 $0x3600, s18  }
0x6: {  	s4 =	rddreg [dreg:$0x4];
	s9 =	smul.u32 $0x13C00, s18  }
0x7: {  	s28 =	simm.s32 $0x2;
	s8 =	sand.u32 $0x1, s5;
	s11 =	smul.u32 $0x13C0, s18  }
0x8: {  	s29 =	simm.s32 $0x0;
	s5 =	simm.s32 $0x0;
	s6 =	smul.u32 $0x36000, s8  }
0x9: {  	s31 =	sshll.u32 s18, $0x6;
	[smem:$0x7FF] =	sst s5;
	s10 =	smul.u32 $0x13C000, s8  }
0xa: {  	s23 =	ssub.s32 $0x2, s8;
	p0 =	seq.s32 s8, $0x0;
	s8 =	smul.u32 $0x13C00, s8  }
0xb: {  	s18 =	sor.u32 $0x1C05, s31;
	_ =	strace $0x80000047;
	s21 =	sshrl.u32 s9, $0x3  }
0xc: {  	s22 =	sshrl.u32 s11, $0x3;
	s15 =	sshrl.u32 s23, $0x1;
	s17 =	sadd.s32 s11, s4  }
0xd: {  	s7 =	sadd.s32 s7, s6;
	s6 =	sadd.s32 $0x1B800, s1;
	s10 =	sadd.s32 s9, s10  }
0xe: {  	s13 =	sadd.s32 s21, s1;
	s14 =	sadd.s32 s22, s1;
	s15 =	ssub.s32 s23, s15  }
0xf: {  	s9 =	sadd.s32 s9, s3;
	s8 =	sadd.s32 s11, s8;
	s20 =	sshrl.u32 s17, $0x3  }
0x10: {  	s21 =	simm.s32 $0x40;
	s22 =	simm.s32 $0x6C00;
	s7 =	sshrl.u32 s7, $0x3  }
0x11: {  	s10 =	sshrl.u32 s10, $0x3;
	s26 =	sadd.s32 $0x1E000, s13;
	s30 =	sadd.s32 $0x45800, s14  }
0x12: {  	s8 =	sshrl.u32 s8, $0x3;
	s14 =	smax.u32 s15, $0x1;
	s19 =	sshrl.u32 s9, $0x3  }
0x13: {  	s12 =	sadd.s32 s7, s1;
	s1 =	sadd.s32 s10, s1;
	[dreg:$0x8] =	wrdreg s26  }
0x14: {  	s7 =	simm.s32 $0xD8;
	[dreg:$0x9] =	wrdreg s30;
	s24 =	sadd.s32 $0x800, s12  }
0x15: {  	s13 =	sadd.s32 s2, s8;
	s25 =	sadd.s32 $0xE000, s12;
	[dreg:$0x6] =	wrdreg s24  }
0x16: {  	s7 =	simm.s32 @!p0 $0x64;
	s1 =	sadd.s32 $0x48000, s1;
	[dreg:$0x7] =	wrdreg s25  }
0x17: {  	s26 =	simm.s32 $0x1;
	s16 =	sshrl.u32 s7, $0x1;
	[dreg:$0xa] =	wrdreg s1  }
0x18: {  	s24 =	simm.s32 $0x8C00;
	s15 =	sadd.s32 $0xFFFFFFFF, s16;
	s16 =	simm.s32 $0x5  }
.LBB2_1:
0x19: {  	s1 =	rddreg [dreg:$0x6]  }
0x1a: {  	[tilespmem:s5], [sflag:$0x5] =	stream.linear.gather [hbm4b:s1+s5], $0x3600, $0x38;
	v63 =	vld [tilespmem:$0x0]  }
0x1b: {  	_ =	swait.ge [sflag:s16], $0x3600  }
0x1c: {  	[sflag:s16] =	ssyncset.done $0x0  }
0x1d: {  	s2 =	simm.s32 $0x3600;
	s11 =	rddreg [dreg:$0x7];
	[sflag:s16] =	ssyncadd.s32 $0xFFFFCA00  }
0x1e: {  	[tilespmem:s2], [sflag:$0x5] =	stream.linear.gather [hbm4b:s11+s5], $0x3600, $0x38;
	v63 =	vld [tilespmem:$0x0]  }
0x1f: {  	_ =	swait.ge [sflag:s16], $0x3600  }
0x20: {  	[sflag:s16] =	ssyncset.done $0x0  }
0x21: {  	s12 =	rddreg [dreg:$0x8];
	[sflag:s16] =	ssyncadd.s32 $0xFFFFCA00  }
0x22: {  	[spmem:s19], [sflag:s18] =	dma.local [hbm:s12], $0x2780  }
0x23: {  	_ =	swait.ge [sflag:s16], $0x2780  }
0x24: {  	[sflag:s16] =	ssyncset.done $0x0  }
0x25: {  	s17 =	rddreg [dreg:$0x9];
	[sflag:s16] =	ssyncadd.s32 $0xFFFFD880  }
0x26: {  	[spmem:s20], [sflag:s18] =	dma.local [hbm:s17], $0x278  }
0x27: {  	_ =	swait.ge [sflag:s16], $0x278  }
0x28: {  	[sflag:s16] =	ssyncset.done $0x0  }
0x29: {  	[sflag:s16] =	ssyncadd.s32 $0xFFFFFD88  }
0x2a: {  	[bflag:$0x0] =	sbarrier.arrive $0xFFFF  }
0x2b: {  	[tilespmem:s22], [sflag:$0x1] =	stream.indirect.gather [hbm4b:s0+s21], $0x80, s5, s21, $0xb8;
	v63 =	vld [tilespmem:$0x0]  }
0x2c: {  	s23 =	simm.s32 $0xAC00  }
0x2d: {  	[tilespmem:s23], [sflag:$0x3] =	stream.indirect.gather [hbm4b:s6+s21], $0x8, s5, s21, $0xb8;
	v63 =	vld [tilespmem:$0x0]  }
0x2e: {  	_ = 	snop  }
0x2f: {  	[tilespmem:s24], [sflag:$0x2] =	stream.indirect.gather [hbm4b:s0+s21], $0x80, s21, s21, $0xb8;
	v63 =	vld [tilespmem:$0x0]  }
0x30: {  	s25 =	simm.s32 $0xAE00  }
0x31: {  	[tilespmem:s25], [sflag:$0x4] =	stream.indirect.gather [hbm4b:s6+s21], $0x8, s21, s21, $0xb8;
	v63 =	vld [tilespmem:$0x0]  }
0x32: {  	_ =	swait.ge [sflag:s26], $0x2000  }
0x33: {  	[sflag:s26] =	ssyncset.done $0x0  }
0x34: {  	s1 =	simm.s32 $0x3600;
	[sflag:s26] =	ssyncadd.s32 $0xFFFFE000  }
0x35: {  	[spmem:s3] =	stream.indirect.scatter.add.f32 [tilespmem:s22], [sflag:$0x5], $0x80, s1, s21, $0xb8;
	v63 =	vld [tilespmem:$0x0]  }
0x36: {  	_ =	swait.ge [sflag:s16], $0x2000  }
0x37: {  	p0 =	sle.u32 s7, $0x2;
	[sflag:s16] =	ssyncset.done $0x0  }
0x38: {  	s2 =	simm.s32 @p0 $0x3;
	[sflag:s16] =	ssyncadd.s32 $0xFFFFE000  }
0x39: {  	_ =	swait.ge @p0 [sflag:s2], $0x200  }
0x3a: {  	s8 =	simm.s32 @p0 $0x5;
	[sflag:s2] =	ssyncset.done @p0 $0x0  }
0x3b: {  	s9 =	simm.s32 @p0 $0xAC00;
	[sflag:s2] =	ssyncadd.s32 @p0 $0xFFFFFE00;
	s2 =	simm.s32 @p0 $0x40  }
0x3c: {  	[spmem:s4] =	stream.indirect.scatter.add.f32 @p0 [tilespmem:s9], [sflag:$0x5], $0x8, s1, s2, $0xb8;
	v63 =	vld [tilespmem:$0x0]  }
0x3d: {  	_ =	swait.ge @p0 [sflag:s8], $0x200  }
0x3e: {  	s17 =	simm.s32 @!p0 $0x40;
	s2 =	simm.s32 @!p0 $0x6C00;
	[sflag:s8] =	ssyncset.done @p0 $0x0  }
0x3f: {  	s9 =	simm.s32 @!p0 $0x3;
	[sflag:s8] =	ssyncadd.s32 @p0 $0xFFFFFE00;
	s8 =	simm.s32 @!p0 $0x80  }
0x40: {  	[tilespmem:s2], [sflag:$0x1] =	stream.indirect.gather @!p0 [hbm4b:s0+s17], $0x80, s8, s17, $0xb8;
	v63 =	vld [tilespmem:$0x0]  }
0x41: {  	_ =	swait.ge @!p0 [sflag:s9], $0x200  }
0x42: {  	[sflag:s9] =	ssyncset.done @!p0 $0x0  }
0x43: {  	s2 =	simm.s32 @!p0 $0xAC00;
	[sflag:s9] =	ssyncadd.s32 @!p0 $0xFFFFFE00;
	s9 =	simm.s32 @!p0 $0x5  }
0x44: {  	[spmem:s4] =	stream.indirect.scatter.add.f32 @!p0 [tilespmem:s2], [sflag:$0x5], $0x8, s1, s17, $0xb8;
	v63 =	vld [tilespmem:$0x0]  }
0x45: {  	_ =	swait.ge @!p0 [sflag:s9], $0x200  }
0x46: {  	[sflag:s9] =	ssyncset.done @!p0 $0x0  }
0x47: {  	[sflag:s9] =	ssyncadd.s32 @!p0 $0xFFFFFE00  }
0x48: {  	[tilespmem:s2], [sflag:$0x3] =	stream.indirect.gather @!p0 [hbm4b:s6+s17], $0x8, s8, s17, $0xb8;
	v63 =	vld [tilespmem:$0x0]  }
0x49: {  	_ =	swait.ge [sflag:s28], $0x2000  }
0x4a: {  	[sflag:s28] =	ssyncset.done $0x0  }
0x4b: {  	s2 =	simm.s32 $0x3640;
	[sflag:s28] =	ssyncadd.s32 $0xFFFFE000  }
0x4c: {  	[spmem:s3] =	stream.indirect.scatter.add.f32 [tilespmem:s24], [sflag:$0x5], $0x80, s2, s21, $0xb8;
	v63 =	vld [tilespmem:$0x0]  }
0x4d: {  	_ =	swait.ge [sflag:s16], $0x2000  }
0x4e: {  	p1 =	sle.u32 s7, $0x3;
	[sflag:s16] =	ssyncset.done $0x0  }
0x4f: {  	s1 =	simm.s32 @p1 $0x4;
	[sflag:s16] =	ssyncadd.s32 $0xFFFFE000  }
0x50: {  	_ =	swait.ge @p1 [sflag:s1], $0x200  }
0x51: {  	s9 =	simm.s32 @p1 $0xAE00;
	[sflag:s1] =	ssyncset.done @p1 $0x0  }
0x52: {  	s8 =	simm.s32 @p1 $0x5;
	[sflag:s1] =	ssyncadd.s32 @p1 $0xFFFFFE00;
	s1 =	simm.s32 @p1 $0x40  }
0x53: {  	[spmem:s4] =	stream.indirect.scatter.add.f32 @p1 [tilespmem:s9], [sflag:$0x5], $0x8, s2, s1, $0xb8;
	v63 =	vld [tilespmem:$0x0]  }
0x54: {  	_ =	swait.ge @p1 [sflag:s8], $0x200  }
0x55: {  	s17 =	simm.s32 $0xC0;
	s1 =	simm.s32 @!p1 $0x4;
	[sflag:s8] =	ssyncset.done @p1 $0x0  }
0x56: {  	s9 =	simm.s32 @!p1 $0x8C00;
	[sflag:s8] =	ssyncadd.s32 @p1 $0xFFFFFE00;
	s8 =	simm.s32 @!p1 $0x40  }
0x57: {  	[tilespmem:s9], [sflag:$0x2] =	stream.indirect.gather @!p1 [hbm4b:s0+s8], $0x80, s17, s8, $0xb8;
	v63 =	vld [tilespmem:$0x0]  }
0x58: {  	s25 =	sadd.s32 $0xFFFFFFFF, s15;
	_ =	swait.ge @!p1 [sflag:s1], $0x200  }
0x59: {  	s23 =	simm.s32 @!p1 $0x5;
	p0 =	sne.s32 s25, $0x0;
	[sflag:s1] =	ssyncset.done @!p1 $0x0  }
.Ltmp0:
0x5a: {  	s9 =	simm.s32 @!p1 $0xAE00;
	[sflag:s1] =	ssyncadd.s32 @!p1 $0xFFFFFE00;
	(pc) =	sbr.rel @!p0 .LBB2_3-.Ltmp0, $4  }
0x5b: {  	[spmem:s4] =	stream.indirect.scatter.add.f32 @!p1 [tilespmem:s9], [sflag:$0x5], $0x8, s2, s8, $0xb8;
	v63 =	vld [tilespmem:$0x0]  }
0x5c: {  	_ =	swait.ge @!p1 [sflag:s23], $0x200  }
0x5d: {  	s30 =	simm.s32 $0x36C0;
	s31 =	simm.s32 $0x140;
	[sflag:s23] =	ssyncset.done @!p1 $0x0  }
0x5e: {  	s1 =	simm.s32 $0x5;
	[sflag:s23] =	ssyncadd.s32 @!p1 $0xFFFFFE00;
	s23 =	simm.s32 $0xC0  }
.LBB2_2:
0x5f: {  	s23 =	smov.u32 s31;
	s2 =	smov.u32 s30  }
0x60: {  	[tilespmem:s9], [sflag:$0x4] =	stream.indirect.gather @!p1 [hbm4b:s6+s8], $0x8, s17, s8, $0xb8;
	v63 =	vld [tilespmem:$0x0]  }
0x61: {  	s25 =	sadd.s32 $0xFFFFFFFF, s25;
	s17 =	smov.u32 s31;
	_ =	swait.ge [sflag:s26], $0x2000  }
0x62: {  	p0 =	sne.s32 s25, $0x0;
	[sflag:s26] =	ssyncset.done $0x0  }
0x63: {  	s8 =	sadd.s32 $0xFFFFFFC0, s30;
	[sflag:s26] =	ssyncadd.s32 $0xFFFFE000  }
0x64: {  	[spmem:s3] =	stream.indirect.scatter.add.f32 [tilespmem:s22], [sflag:$0x5], $0x80, s8, s21, $0xb8;
	v63 =	vld [tilespmem:$0x0]  }
0x65: {  	s9 =	sadd.s32 $0xFFFFFFFF, s1;
	_ =	swait.ge [sflag:s16], $0x2000  }
0x66: {  	p1 =	sge.u32 s9, s7;
	[sflag:s16] =	ssyncset.done $0x0  }
0x67: {  	s9 =	simm.s32 @p1 $0x3;
	[sflag:s16] =	ssyncadd.s32 $0xFFFFE000  }
0x68: {  	_ =	swait.ge @p1 [sflag:s9], $0x200  }
0x69: {  	s10 =	simm.s32 @p1 $0x5;
	[sflag:s9] =	ssyncset.done @p1 $0x0  }
0x6a: {  	s11 =	simm.s32 @p1 $0xAC00;
	[sflag:s9] =	ssyncadd.s32 @p1 $0xFFFFFE00;
	s9 =	simm.s32 @p1 $0x40  }
0x6b: {  	[spmem:s4] =	stream.indirect.scatter.add.f32 @p1 [tilespmem:s11], [sflag:$0x5], $0x8, s8, s9, $0xb8;
	v63 =	vld [tilespmem:$0x0]  }
0x6c: {  	_ =	swait.ge @p1 [sflag:s10], $0x200  }
0x6d: {  	s9 =	simm.s32 @!p1 $0x6C00;
	s11 =	simm.s32 @!p1 $0x3;
	[sflag:s10] =	ssyncset.done @p1 $0x0  }
0x6e: {  	s12 =	simm.s32 @!p1 $0x40;
	[sflag:s10] =	ssyncadd.s32 @p1 $0xFFFFFE00;
	s10 =	sadd.s32 @!p1 $0xFFFFFFC0, s31  }
0x6f: {  	[tilespmem:s9], [sflag:$0x1] =	stream.indirect.gather @!p1 [hbm4b:s0+s12], $0x80, s10, s12, $0xb8;
	v63 =	vld [tilespmem:$0x0]  }
0x70: {  	_ =	swait.ge @!p1 [sflag:s11], $0x200  }
0x71: {  	[sflag:s11] =	ssyncset.done @!p1 $0x0  }
0x72: {  	s9 =	simm.s32 @!p1 $0xAC00;
	[sflag:s11] =	ssyncadd.s32 @!p1 $0xFFFFFE00;
	s11 =	simm.s32 @!p1 $0x5  }
0x73: {  	[spmem:s4] =	stream.indirect.scatter.add.f32 @!p1 [tilespmem:s9], [sflag:$0x5], $0x8, s8, s12, $0xb8;
	v63 =	vld [tilespmem:$0x0]  }
0x74: {  	_ =	swait.ge @!p1 [sflag:s11], $0x200  }
0x75: {  	[sflag:s11] =	ssyncset.done @!p1 $0x0  }
0x76: {  	[sflag:s11] =	ssyncadd.s32 @!p1 $0xFFFFFE00  }
0x77: {  	[tilespmem:s9], [sflag:$0x3] =	stream.indirect.gather @!p1 [hbm4b:s6+s12], $0x8, s10, s12, $0xb8;
	v63 =	vld [tilespmem:$0x0]  }
0x78: {  	_ =	swait.ge [sflag:s28], $0x2000  }
0x79: {  	[sflag:s28] =	ssyncset.done $0x0  }
0x7a: {  	[sflag:s28] =	ssyncadd.s32 $0xFFFFE000  }
0x7b: {  	[spmem:s3] =	stream.indirect.scatter.add.f32 [tilespmem:s24], [sflag:$0x5], $0x80, s30, s21, $0xb8;
	v63 =	vld [tilespmem:$0x0]  }
0x7c: {  	_ =	swait.ge [sflag:s16], $0x2000  }
0x7d: {  	p1 =	sge.u32 s1, s7;
	[sflag:s16] =	ssyncset.done $0x0  }
0x7e: {  	s8 =	simm.s32 @p1 $0x4;
	[sflag:s16] =	ssyncadd.s32 $0xFFFFE000  }
0x7f: {  	_ =	swait.ge @p1 [sflag:s8], $0x200  }
0x80: {  	s9 =	simm.s32 @p1 $0x5;
	[sflag:s8] =	ssyncset.done @p1 $0x0  }
0x81: {  	s10 =	simm.s32 @p1 $0xAE00;
	[sflag:s8] =	ssyncadd.s32 @p1 $0xFFFFFE00;
	s8 =	simm.s32 @p1 $0x40  }
0x82: {  	[spmem:s4] =	stream.indirect.scatter.add.f32 @p1 [tilespmem:s10], [sflag:$0x5], $0x8, s30, s8, $0xb8;
	v63 =	vld [tilespmem:$0x0]  }
0x83: {  	_ =	swait.ge @p1 [sflag:s9], $0x200  }
0x84: {  	s10 =	simm.s32 @!p1 $0x4;
	[sflag:s9] =	ssyncset.done @p1 $0x0  }
0x85: {  	s8 =	simm.s32 @!p1 $0x40;
	[sflag:s9] =	ssyncadd.s32 @p1 $0xFFFFFE00;
	s9 =	simm.s32 @!p1 $0x8C00  }
0x86: {  	[tilespmem:s9], [sflag:$0x2] =	stream.indirect.gather @!p1 [hbm4b:s0+s8], $0x80, s31, s8, $0xb8;
	v63 =	vld [tilespmem:$0x0]  }
0x87: {  	_ =	swait.ge @!p1 [sflag:s10], $0x200  }
0x88: {  	s11 =	simm.s32 @!p1 $0x5;
	[sflag:s10] =	ssyncset.done @!p1 $0x0  }
.Ltmp1:
0x89: {  	s9 =	simm.s32 @!p1 $0xAE00;
	[sflag:s10] =	ssyncadd.s32 @!p1 $0xFFFFFE00;
	(pc) =	sbr.rel @p0 .LBB2_2-.Ltmp1, $4  }
0x8a: {  	[spmem:s4] =	stream.indirect.scatter.add.f32 @!p1 [tilespmem:s9], [sflag:$0x5], $0x8, s30, s8, $0xb8;
	v63 =	vld [tilespmem:$0x0]  }
0x8b: {  	_ =	swait.ge @!p1 [sflag:s11], $0x200  }
0x8c: {  	s30 =	sadd.s32 $0x80, s30;
	[sflag:s11] =	ssyncset.done @!p1 $0x0  }
0x8d: {  	s1 =	sadd.s32 $0x2, s1;
	s31 =	sadd.s32 $0x80, s31;
	[sflag:s11] =	ssyncadd.s32 @!p1 $0xFFFFFE00  }
.LBB2_3:
0x8e: {  	[tilespmem:s9], [sflag:$0x4] =	stream.indirect.gather @!p1 [hbm4b:s6+s8], $0x8, s17, s8, $0xb8;
	v63 =	vld [tilespmem:$0x0]  }
0x8f: {  	_ =	swait.ge [sflag:s26], $0x2000  }
0x90: {  	[sflag:s26] =	ssyncset.done $0x0  }
0x91: {  	s2 =	sadd.s32 $0x40, s2;
	s25 =	sadd.s32 $0xFFFFFFFF, s1;
	[sflag:s26] =	ssyncadd.s32 $0xFFFFE000  }
0x92: {  	[spmem:s3] =	stream.indirect.scatter.add.f32 [tilespmem:s22], [sflag:$0x5], $0x80, s2, s21, $0xb8;
	v63 =	vld [tilespmem:$0x0]  }
0x93: {  	p0 =	slt.u32 s25, s7;
	_ =	swait.ge [sflag:s16], $0x2000  }
0x94: {  	s8 =	sadd.s32 @p0 $0x40, s23;
	[sflag:s16] =	ssyncset.done $0x0  }
0x95: {  	s9 =	simm.s32 @p0 $0x40;
	s10 =	simm.s32 @p0 $0x6C00;
	[sflag:s16] =	ssyncadd.s32 $0xFFFFE000  }
0x96: {  	[tilespmem:s10], [sflag:$0x1] =	stream.indirect.gather @p0 [hbm4b:s0+s9], $0x80, s8, s9, $0xb8;
	v63 =	vld [tilespmem:$0x0]  }
0x97: {  	s10 =	simm.s32 @p0 $0x3  }
0x98: {  	_ =	swait.ge @p0 [sflag:s10], $0x200  }
0x99: {  	[sflag:s10] =	ssyncset.done @p0 $0x0  }
0x9a: {  	s11 =	simm.s32 @p0 $0x5;
	[sflag:s10] =	ssyncadd.s32 @p0 $0xFFFFFE00;
	s10 =	simm.s32 @p0 $0xAC00  }
0x9b: {  	[spmem:s4] =	stream.indirect.scatter.add.f32 @p0 [tilespmem:s10], [sflag:$0x5], $0x8, s2, s9, $0xb8;
	v63 =	vld [tilespmem:$0x0]  }
0x9c: {  	_ =	swait.ge @p0 [sflag:s11], $0x200  }
0x9d: {  	[sflag:s11] =	ssyncset.done @p0 $0x0  }
0x9e: {  	[sflag:s11] =	ssyncadd.s32 @p0 $0xFFFFFE00  }
0x9f: {  	[tilespmem:s10], [sflag:$0x3] =	stream.indirect.gather @p0 [hbm4b:s6+s9], $0x8, s8, s9, $0xb8;
	v63 =	vld [tilespmem:$0x0]  }
0xa0: {  	s8 =	simm.s32 @!p0 $0x3  }
0xa1: {  	_ =	swait.ge @!p0 [sflag:s8], $0x200  }
0xa2: {  	[sflag:s8] =	ssyncset.done @!p0 $0x0  }
0xa3: {  	s9 =	simm.s32 @!p0 $0xAC00;
	[sflag:s8] =	ssyncadd.s32 @!p0 $0xFFFFFE00;
	s8 =	simm.s32 @!p0 $0x40  }
0xa4: {  	[spmem:s4] =	stream.indirect.scatter.add.f32 @!p0 [tilespmem:s9], [sflag:$0x5], $0x8, s2, s8, $0xb8;
	v63 =	vld [tilespmem:$0x0]  }
0xa5: {  	s2 =	simm.s32 @!p0 $0x5  }
0xa6: {  	_ =	swait.ge @!p0 [sflag:s2], $0x200  }
0xa7: {  	[sflag:s2] =	ssyncset.done @!p0 $0x0  }
0xa8: {  	[sflag:s2] =	ssyncadd.s32 @!p0 $0xFFFFFE00  }
0xa9: {  	_ =	swait.ge [sflag:s28], $0x2000  }
0xaa: {  	[sflag:s28] =	ssyncset.done $0x0  }
0xab: {  	[sflag:s28] =	ssyncadd.s32 $0xFFFFE000  }
0xac: {  	[spmem:s3] =	stream.indirect.scatter.add.f32 [tilespmem:s24], [sflag:$0x5], $0x80, s30, s21, $0xb8;
	v63 =	vld [tilespmem:$0x0]  }
0xad: {  	_ =	swait.ge [sflag:s16], $0x2000  }
0xae: {  	p0 =	slt.u32 s1, s7;
	[sflag:s16] =	ssyncset.done $0x0  }
0xaf: {  	s1 =	simm.s32 @p0 $0x40;
	s2 =	simm.s32 @p0 $0x8C00;
	[sflag:s16] =	ssyncadd.s32 $0xFFFFE000  }
0xb0: {  	[tilespmem:s2], [sflag:$0x2] =	stream.indirect.gather @p0 [hbm4b:s0+s1], $0x80, s31, s1, $0xb8;
	v63 =	vld [tilespmem:$0x0]  }
0xb1: {  	s2 =	simm.s32 @p0 $0x4  }
0xb2: {  	_ =	swait.ge @p0 [sflag:s2], $0x200  }
0xb3: {  	[sflag:s2] =	ssyncset.done @p0 $0x0  }
0xb4: {  	s8 =	simm.s32 @p0 $0x5;
	[sflag:s2] =	ssyncadd.s32 @p0 $0xFFFFFE00;
	s2 =	simm.s32 @p0 $0xAE00  }
0xb5: {  	[spmem:s4] =	stream.indirect.scatter.add.f32 @p0 [tilespmem:s2], [sflag:$0x5], $0x8, s30, s1, $0xb8;
	v63 =	vld [tilespmem:$0x0]  }
0xb6: {  	_ =	swait.ge @p0 [sflag:s8], $0x200  }
0xb7: {  	[sflag:s8] =	ssyncset.done @p0 $0x0  }
0xb8: {  	[sflag:s8] =	ssyncadd.s32 @p0 $0xFFFFFE00  }
0xb9: {  	[tilespmem:s2], [sflag:$0x4] =	stream.indirect.gather @p0 [hbm4b:s6+s1], $0x8, s31, s1, $0xb8;
	v63 =	vld [tilespmem:$0x0]  }
0xba: {  	s1 =	simm.s32 @!p0 $0x4  }
0xbb: {  	_ =	swait.ge @!p0 [sflag:s1], $0x200  }
0xbc: {  	[sflag:s1] =	ssyncset.done @!p0 $0x0  }
0xbd: {  	s2 =	simm.s32 @!p0 $0xAE00;
	[sflag:s1] =	ssyncadd.s32 @!p0 $0xFFFFFE00;
	s1 =	simm.s32 @!p0 $0x40  }
0xbe: {  	[spmem:s4] =	stream.indirect.scatter.add.f32 @!p0 [tilespmem:s2], [sflag:$0x5], $0x8, s30, s1, $0xb8;
	v63 =	vld [tilespmem:$0x0]  }
0xbf: {  	s1 =	simm.s32 @!p0 $0x5  }
0xc0: {  	_ =	swait.ge @!p0 [sflag:s1], $0x200  }
0xc1: {  	[sflag:s1] =	ssyncset.done @!p0 $0x0  }
0xc2: {  	[sflag:s1] =	ssyncadd.s32 @!p0 $0xFFFFFE00  }
0xc3: {  	[bflag:$0x0] =	sbarrier.arrive $0xFFFF  }
0xc4: {  	s31 =	rddreg [dreg:$0xa]  }
0xc5: {  	[hbm:s31], [sflag:s18] =	dma.local [spmem:s19], $0x2780  }
0xc6: {  	s29 =	sadd.s32 $0x1, s29;
	_ =	swait.ge [sflag:s16], $0x2780  }
0xc7: {  	p0 =	sne.s32 s29, s14;
	[sflag:s16] =	ssyncset.done $0x0  }
.Ltmp2:
0xc8: {  	[sflag:s16] =	ssyncadd.s32 $0xFFFFD880;
	(pc) =	sbr.rel @p0 .LBB2_1-.Ltmp2, $4  }
0xc9: {  	[hbm:s13], [sflag:s18] =	dma.local [spmem:s20], $0x278  }
0xca: {  	_ =	swait.ge [sflag:s16], $0x278  }
0xcb: {  	[sflag:s16] =	ssyncset.done $0x0  }
0xcc: {  	[sflag:s16] =	ssyncadd.s32 $0xFFFFFD88  }
0xcd: {  	_ =	sfence.sel $0x180000  }
0xce: {  	[bflag:$0x0] =	sbarrier.arrive $0xFFFF  }
0xcf: {  	_ =	strace $0x90000047  }
0xd0: {  	s0 =	stileid.u32;
	[bflag:$0x2] =	sbarrier.arrive $0xFFFF  }
0xd1: {  	p0 =	sne.s32 s0, $0x0;
	s0 =	rddreg [dreg:$0x5]  }
0xd2: {  	s0 =	sadd.s32 @!p0 $0x100000, s0  }
0xd3: {  	[sflag:s0] =	ssyncadd.tile.s32 @!p0 $0x1;
	_ =	shalt  }
.Lfunc_end2:
_tile_overlayer_lowered:
.L_overlay_start_2:
0xd4: {  	(tag) =	ssettag $0x2  }
0xd5: {  	s0 =	rddreg [dreg:$0x0];
	s2 =	stileid.u32  }
0xd6: {  	s1 =	rddreg [dreg:$0x1];
	p0 =	sne.s32 s2, $0x0  }
0xd7: {  	s3 =	rddreg [dreg:$0x2];
	[bflag:$0x3] =	sbarrier.arrive $0xFFFF;
	s2 =	simm.s32 @!p0 $0x1C05  }
0xd8: {  	[timem:s3], [sflag:s2] =	dma.local @!p0 [hbm:s0], s1  }
0xd9: {  	s0 =	simm.s32 @!p0 $0x5  }
0xda: {  	_ =	swait.ge @!p0 [sflag:s0], s1  }
0xdb: {  	s1 =	ssub.s32 @!p0 $0x0, s1;
	[sflag:s0] =	ssyncset.done @!p0 $0x0  }
0xdc: {  	[sflag:s0] =	ssyncadd.s32 @!p0 s1  }
0xdd: {  	[bflag:$0x3] =	sbarrier.arrive $0xFFFF  }
0xde: {  	_ =	shalt  }

</sc_bundles>
